<compile_context>
chip_gen: v7x
topology: tpu7x:2x2x1
jax: 0.10.2.dev20260603
libtpu: 0.0.44.dev20260713+nightly
codegen_flags: <defaults>
</compile_context>

<pallas_src>
import functools

import jax
import jax.numpy as jnp
from jax import lax
from jax.experimental import pallas as pl
from jax.experimental.pallas import tpu as pltpu
from jax.experimental.pallas import tpu_sc as plsc

N = 10000
E = 320000
D = 128
NG = 16
NC, NS = 2, 16
NW = NC * NS
CHUNK = 128
CPW = 80
EPAD = NW * CPW * CHUNK
NPAD = 10112
ROWS_PT = NPAD // NS
NBLK = NPAD // CHUNK

_MESH = plsc.VectorSubcoreMesh(core_axis_name="c", subcore_axis_name="s",
                               num_cores=NC, num_subcores=NS)


def _zero_my_slice(acc, zeros_hbm, sid):
    base = sid * ROWS_PT
    nfull = ROWS_PT // CHUNK
    for k in range(nfull):
        pltpu.sync_copy(zeros_hbm, acc.at[pl.ds(base + k * CHUNK, CHUNK)])
    rem = ROWS_PT % CHUNK
    if rem:
        pltpu.sync_copy(zeros_hbm.at[pl.ds(0, rem)],
                        acc.at[pl.ds(base + nfull * CHUNK, rem)])


@functools.partial(
    pl.kernel,
    out_type=jax.ShapeDtypeStruct((NC, NPAD, D), jnp.float32),
    mesh=_MESH,
    scratch_types=[
        pltpu.VMEM_SHARED((NPAD, D), jnp.float32),
        pltpu.VMEM((CPW, CHUNK), jnp.int32),
        pltpu.VMEM((CHUNK, D), jnp.float32),
        pltpu.SemaphoreType.DMA,
    ],
)
def _dega_kernel(dst_hbm, eye_hbm, zeros_hbm, out_hbm, acc, dst_sl, eye_v, ssem):
    cid = lax.axis_index("c")
    sid = lax.axis_index("s")
    wid = sid * NC + cid
    _zero_my_slice(acc, zeros_hbm, sid)
    pltpu.sync_copy(eye_hbm, eye_v)
    pltpu.sync_copy(dst_hbm.at[wid], dst_sl)
    plsc.subcore_barrier()

    def body(j, carry):
        pltpu.async_copy(eye_v, acc.at[dst_sl.at[j]], ssem, add=True)

        @pl.when(j >= 4)
        def _():
            pltpu.make_async_copy(eye_v, acc.at[dst_sl.at[0]], ssem).wait()

        return carry

    lax.fori_loop(0, CPW, body, 0)
    for _ in range(4):
        pltpu.make_async_copy(eye_v, acc.at[dst_sl.at[0]], ssem).wait()
    plsc.subcore_barrier()
    pltpu.sync_copy(acc.at[pl.ds(sid * ROWS_PT, ROWS_PT)],
                    out_hbm.at[cid, pl.ds(sid * ROWS_PT, ROWS_PT)])


TOT_CHUNKS = EPAD // CHUNK
SLAB = CPW // 2


@functools.partial(
    pl.kernel,
    out_type=jax.ShapeDtypeStruct((NC, NPAD, D), jnp.float32),
    mesh=_MESH,
    scratch_types=[
        pltpu.VMEM_SHARED((NPAD, D), jnp.float32),
        pltpu.VMEM((SLAB, CHUNK), jnp.int32),
        pltpu.VMEM((SLAB, CHUNK), jnp.int32),
        [pltpu.VMEM((CHUNK, D), jnp.float32) for _ in range(2)],
        [pltpu.SemaphoreType.DMA for _ in range(2)],
        [pltpu.SemaphoreType.DMA for _ in range(2)],
    ],
)
def _scat_kernel(y_hbm, src_hbm, dst_hbm, zeros_hbm, out_hbm, acc,
                 src_sl, dst_sl, rows, gsem, ssem):
    cid = lax.axis_index("c")
    sid = lax.axis_index("s")
    _zero_my_slice(acc, zeros_hbm, sid)
    plsc.subcore_barrier()

    wid = sid * NC + cid
    base = wid * CPW

    for h in range(2):
        off = pl.multiple_of(base + h * SLAB, 8)
        pltpu.sync_copy(src_hbm.at[pl.ds(off, SLAB)], src_sl)
        pltpu.sync_copy(dst_hbm.at[pl.ds(off, SLAB)], dst_sl)

        def round_body(r, carry):
            for b in range(2):
                j = r * 2 + b

                @pl.when(r > 0)
                def _():
                    pltpu.make_async_copy(rows[b], acc.at[dst_sl.at[j]],
                                          ssem[b]).wait()

                pltpu.async_copy(y_hbm.at[src_sl.at[j]], rows[b], gsem[b])
            for b in range(2):
                j = r * 2 + b
                pltpu.make_async_copy(y_hbm.at[src_sl.at[j]], rows[b],
                                      gsem[b]).wait()
                pltpu.async_copy(rows[b], acc.at[dst_sl.at[j]], ssem[b],
                                 add=True)
            return carry

        lax.fori_loop(0, SLAB // 2, round_body, 0)
        for b in range(2):
            pltpu.make_async_copy(rows[b], acc.at[dst_sl.at[0]],
                                  ssem[b]).wait()
    plsc.subcore_barrier()
    pltpu.sync_copy(acc.at[pl.ds(sid * ROWS_PT, ROWS_PT)],
                    out_hbm.at[cid, pl.ds(sid * ROWS_PT, ROWS_PT)])


def _embed_body(x_ref, we_ref, wg_ref, be_ref, dega_ref, y_ref, dinv_ref):
    w2 = jnp.dot(we_ref[...], wg_ref[...], preferred_element_type=jnp.float32)
    c = jnp.dot(be_ref[...], wg_ref[...], preferred_element_type=jnp.float32)
    hw = jnp.dot(x_ref[...], w2, preferred_element_type=jnp.float32) + c
    deg = jnp.sum(dega_ref[0] + dega_ref[1], axis=1, keepdims=True) + 1.0
    dinv = jnp.broadcast_to(lax.rsqrt(deg), hw.shape)
    y_ref[...] = hw * dinv
    dinv_ref[...] = dinv


def _tc_embed(x_pad, W_embed, W_gcn, b_embed2, dega):
    return pl.pallas_call(
        _embed_body,
        out_shape=(jax.ShapeDtypeStruct((NPAD, D), jnp.float32),
                   jax.ShapeDtypeStruct((NPAD, D), jnp.float32)),
        grid=(NBLK,),
        in_specs=[
            pl.BlockSpec((CHUNK, D), lambda i: (i, 0)),
            pl.BlockSpec((D, D), lambda i: (0, 0)),
            pl.BlockSpec((D, D), lambda i: (0, 0)),
            pl.BlockSpec((1, D), lambda i: (0, 0)),
            pl.BlockSpec((NC, CHUNK, D), lambda i: (0, i, 0)),
        ],
        out_specs=(pl.BlockSpec((CHUNK, D), lambda i: (i, 0)),
                   pl.BlockSpec((CHUNK, D), lambda i: (i, 0))),
    )(x_pad, W_embed, W_gcn, b_embed2, dega)


def _final_body(part_ref, y_ref, dinv_ref, batch_ref, bg_ref, wm_ref, bm_ref,
                out_ref, gsum_ref, cnt_ref):
    i = pl.program_id(0)

    @pl.when(i == 0)
    def _():
        gsum_ref[...] = jnp.zeros_like(gsum_ref)
        cnt_ref[...] = jnp.zeros_like(cnt_ref)

    t = part_ref[0] + part_ref[1] + y_ref[...]
    h2 = jnp.maximum(t * dinv_ref[...] + bg_ref[...], 0.0)
    b = batch_ref[0]
    onehot_t = (lax.broadcasted_iota(jnp.int32, (NG, CHUNK), 0) == b
                ).astype(jnp.float32)
    gsum_ref[...] += jnp.dot(onehot_t, h2, preferred_element_type=jnp.float32)
    cnt_ref[...] = cnt_ref[...] + jnp.sum(onehot_t, axis=1, keepdims=True)

    @pl.when(i == NBLK - 1)
    def _():
        gf = gsum_ref[...] / jnp.maximum(cnt_ref[...], 1.0)
        out_ref[...] = jnp.dot(gf, wm_ref[...],
                               preferred_element_type=jnp.float32) + bm_ref[...]


def _tc_final(part, y, dinvb, batch3, b_gcn2, W_mlp, b_mlp2):
    return pl.pallas_call(
        _final_body,
        out_shape=jax.ShapeDtypeStruct((NG, D), jnp.float32),
        grid=(NBLK,),
        in_specs=[
            pl.BlockSpec((NC, CHUNK, D), lambda i: (0, i, 0)),
            pl.BlockSpec((CHUNK, D), lambda i: (i, 0)),
            pl.BlockSpec((CHUNK, D), lambda i: (i, 0)),
            pl.BlockSpec((1, 1, CHUNK), lambda i: (i, 0, 0)),
            pl.BlockSpec((1, D), lambda i: (0, 0)),
            pl.BlockSpec((D, D), lambda i: (0, 0)),
            pl.BlockSpec((1, D), lambda i: (0, 0)),
        ],
        out_specs=pl.BlockSpec((NG, D), lambda i: (0, 0)),
        scratch_shapes=[
            pltpu.VMEM((NG, D), jnp.float32),
            pltpu.VMEM((NG, 1), jnp.float32),
        ],
    )(part, y, dinvb, batch3, b_gcn2, W_mlp, b_mlp2)


def kernel(x, edge_index, batch, W_embed, b_embed, W_gcn, b_gcn,
           W_aff, b_aff, W_mlp, b_mlp):
    del W_aff, b_aff
    x_pad = jnp.pad(x, ((0, NPAD - N), (0, 0)))
    pad_idx = jnp.full((EPAD - E,), NPAD - 1, dtype=jnp.int32)
    src_r = jnp.concatenate([edge_index[0], pad_idx]).reshape(NW, CPW, CHUNK)
    dst_r = jnp.concatenate([edge_index[1], pad_idx]).reshape(NW, CPW, CHUNK)
    pad_sl = jnp.full((SLAB, CHUNK), NPAD - 1, dtype=jnp.int32)
    src_f = jnp.concatenate([src_r.reshape(TOT_CHUNKS, CHUNK), pad_sl])
    dst_f = jnp.concatenate([dst_r.reshape(TOT_CHUNKS, CHUNK), pad_sl])
    batch3 = jnp.pad(batch, (0, NPAD - N),
                     constant_values=NG).reshape(NBLK, 1, CHUNK)
    eye = jnp.eye(CHUNK, dtype=jnp.float32)
    zerosD = jnp.zeros((CHUNK, D), jnp.float32)
    b_embed2 = b_embed.reshape(1, D)
    b_gcn2 = b_gcn.reshape(1, D)
    b_mlp2 = b_mlp.reshape(1, D)

    dega = _dega_kernel(dst_r, eye, zerosD)
    y, dinvb = _tc_embed(x_pad, W_embed, W_gcn, b_embed2, dega)
    part = _scat_kernel(y, src_f, dst_f, zerosD)
    return _tc_final(part, y, dinvb, batch3, b_gcn2, W_mlp, b_mlp2)

# --- scband reference (transcript-rebuilt; emitter-appended) ---
"""Pipeline reference for scband-memory-saver-iprmpnnmodel-89876485636294 (READ-ONLY COPY).

The authoritative reference and input builder live on the scoring server;
editing this copy changes nothing except your own understanding.
"""

import jax, jax.numpy as jnp
import numpy as np

N = 10000
E = 320000
D_IN = 128
D_H = 128
D_OUT = 128
NG = 16


def setup_inputs(seed: int = 0) -> dict:
    key = jax.random.key(seed)
    ks = jax.random.split(key, 12)
    x = jax.random.normal(ks[0], (N, D_IN), dtype=jnp.float32)
    edge_index = jax.random.randint(ks[1], (2, E), 0, N, dtype=jnp.int32)
    batch = jnp.sort(jax.random.randint(ks[2], (N,), 0, NG, dtype=jnp.int32))
    s_in = 1.0 / np.sqrt(D_IN)
    s_h = 1.0 / np.sqrt(D_H)
    W_embed = jax.random.normal(ks[3], (D_IN, D_H), dtype=jnp.float32) * s_in
    b_embed = jnp.zeros((D_H,), dtype=jnp.float32)
    W_gcn = jax.random.normal(ks[4], (D_H, D_H), dtype=jnp.float32) * s_h
    b_gcn = jnp.zeros((D_H,), dtype=jnp.float32)
    W_aff = jax.random.normal(ks[5], (D_H, D_H), dtype=jnp.float32) * s_h
    b_aff = jnp.zeros((D_H,), dtype=jnp.float32)
    W_mlp = jax.random.normal(ks[6], (D_H, D_OUT), dtype=jnp.float32) * s_h
    b_mlp = jnp.zeros((D_OUT,), dtype=jnp.float32)
    return {"x": x, "edge_index": edge_index, "batch": batch,
            "W_embed": W_embed, "b_embed": b_embed,
            "W_gcn": W_gcn, "b_gcn": b_gcn,
            "W_aff": W_aff, "b_aff": b_aff,
            "W_mlp": W_mlp, "b_mlp": b_mlp}


def reference(x, edge_index, batch, W_embed, b_embed, W_gcn, b_gcn, W_aff, b_aff, W_mlp, b_mlp):
    n = x.shape[0]
    # node embedding
    h = x @ W_embed + b_embed
    # GCNConv (PyG semantics): linear transform, add self-loops, sym-norm aggregate, add bias
    hw = h @ W_gcn
    loop = jnp.arange(n, dtype=edge_index.dtype)
    src = jnp.concatenate([edge_index[0], loop])
    dst = jnp.concatenate([edge_index[1], loop])
    deg = jax.ops.segment_sum(jnp.ones_like(dst, dtype=hw.dtype), dst, num_segments=n)
    dinv = jax.lax.rsqrt(jnp.maximum(deg, 1.0))
    norm = dinv[src] * dinv[dst]
    agg = jax.ops.segment_sum(hw[src] * norm[:, None], dst, num_segments=n) + b_gcn
    h2 = jax.nn.relu(agg)
    # every graph in this batch has ~625 nodes >> max_template_nodes (30),
    # so the model takes the global_mean_pool branch for all graphs.
    num_graphs = NG
    counts = jax.ops.segment_sum(jnp.ones((n,), dtype=h2.dtype), batch, num_segments=num_graphs)
    counts = jnp.maximum(counts, 1.0)
    gsum = jax.ops.segment_sum(h2, batch, num_segments=num_graphs)
    graph_features = gsum / counts[:, None]
    out = graph_features @ W_mlp + b_mlp
    return out

if __name__ == "__main__":
    import jax
    _d = setup_inputs()
    print(jax.jit(kernel)(*tuple(_d.values())))

</pallas_src>

<mosaic_0001>
#map = affine_map<(d0, d1) -> (0, 0)>
#map1 = affine_map<(d0, d1) -> (0, 0, 0)>
module attributes {stable_mosaic.version = 14 : i64} {
  func.func @_scat_kernel(%arg0: i32, %arg1: i32, %arg2: memref<10112x128xf32, #tpu.memory_space<hbm>>, %arg3: memref<2600x128xi32, #tpu.memory_space<hbm>>, %arg4: memref<2600x128xi32, #tpu.memory_space<hbm>>, %arg5: memref<128x128xf32, #tpu.memory_space<hbm>>, %arg6: memref<2x10112x128xf32, #tpu.memory_space<hbm>>, %arg7: memref<10112x128xf32, #tpu.memory_space<vmem_shared>>, %arg8: memref<40x128xi32, #tpu.memory_space<vmem>>, %arg9: memref<40x128xi32, #tpu.memory_space<vmem>>, %arg10: memref<128x128xf32, #tpu.memory_space<vmem>>, %arg11: memref<128x128xf32, #tpu.memory_space<vmem>>, %arg12: memref<!tpu.dma_semaphore, #tpu.memory_space<semaphore_mem>>, %arg13: memref<!tpu.dma_semaphore, #tpu.memory_space<semaphore_mem>>, %arg14: memref<!tpu.dma_semaphore, #tpu.memory_space<semaphore_mem>>, %arg15: memref<!tpu.dma_semaphore, #tpu.memory_space<semaphore_mem>>) attributes {dimension_semantics = [#tpu.dimension_semantics<core_parallel>, #tpu.dimension_semantics<subcore_parallel>], iteration_bounds = array<i64: 2, 16>, scalar_prefetch = 0 : i64, scratch_operands = 9 : i64, tpu.core_type = #tpu.core_type<sc_vector_subcore>, window_params = [{transform_indices = #map}, {transform_indices = #map}, {transform_indices = #map}, {transform_indices = #map}, {transform_indices = #map1}]} {
    %mul3A = arith.constant 632 : i32
    %mul3A_0 = arith.muli %arg1, %mul3A : i32
    %add3A = arith.constant 0 : i32
    %add3A_1 = arith.addi %mul3A_0, %add3A : i32
    "tpu.region"() ({
      %run_scoped3A = tpu.sem_alloc : memref<!tpu.dma_semaphore, #tpu.memory_space<semaphore_mem>>
      %dma_start3A = arith.constant 0 : i32
      %dma_start3A_63 = tpu.memref_slice %arg7[%add3A_1, %dma_start3A] : memref<10112x128xf32, #tpu.memory_space<vmem_shared>> -> memref<128x128xf32, #tpu.memory_space<vmem_shared>>
      tpu.enqueue_dma source(%arg5 : memref<128x128xf32, #tpu.memory_space<hbm>>) target(%dma_start3A_63 : memref<128x128xf32, #tpu.memory_space<vmem_shared>>) target_semaphore(%run_scoped3A : memref<!tpu.dma_semaphore, #tpu.memory_space<semaphore_mem>>)
      %dma_wait3A_64 = arith.constant 0 : i32
      %dma_wait3A_65 = tpu.memref_slice %arg7[%add3A_1, %dma_wait3A_64] : memref<10112x128xf32, #tpu.memory_space<vmem_shared>> -> memref<128x128xf32, #tpu.memory_space<vmem_shared>>
      tpu.wait_dma2 semaphore(%run_scoped3A : memref<!tpu.dma_semaphore, #tpu.memory_space<semaphore_mem>>) src(%arg5 : memref<128x128xf32, #tpu.memory_space<hbm>>) dst(%dma_wait3A_65 : memref<128x128xf32, #tpu.memory_space<vmem_shared>>)
      tpu.yield
    }) : () -> ()
    %add3A_2 = arith.constant 128 : i32
    %add3A_3 = arith.addi %mul3A_0, %add3A_2 : i32
    "tpu.region"() ({
      %run_scoped3A = tpu.sem_alloc : memref<!tpu.dma_semaphore, #tpu.memory_space<semaphore_mem>>
      %dma_start3A = arith.constant 0 : i32
      %dma_start3A_63 = tpu.memref_slice %arg7[%add3A_3, %dma_start3A] : memref<10112x128xf32, #tpu.memory_space<vmem_shared>> -> memref<128x128xf32, #tpu.memory_space<vmem_shared>>
      tpu.enqueue_dma source(%arg5 : memref<128x128xf32, #tpu.memory_space<hbm>>) target(%dma_start3A_63 : memref<128x128xf32, #tpu.memory_space<vmem_shared>>) target_semaphore(%run_scoped3A : memref<!tpu.dma_semaphore, #tpu.memory_space<semaphore_mem>>)
      %dma_wait3A_64 = arith.constant 0 : i32
      %dma_wait3A_65 = tpu.memref_slice %arg7[%add3A_3, %dma_wait3A_64] : memref<10112x128xf32, #tpu.memory_space<vmem_shared>> -> memref<128x128xf32, #tpu.memory_space<vmem_shared>>
      tpu.wait_dma2 semaphore(%run_scoped3A : memref<!tpu.dma_semaphore, #tpu.memory_space<semaphore_mem>>) src(%arg5 : memref<128x128xf32, #tpu.memory_space<hbm>>) dst(%dma_wait3A_65 : memref<128x128xf32, #tpu.memory_space<vmem_shared>>)
      tpu.yield
    }) : () -> ()
    %add3A_4 = arith.constant 256 : i32
    %add3A_5 = arith.addi %mul3A_0, %add3A_4 : i32
    "tpu.region"() ({
      %run_scoped3A = tpu.sem_alloc : memref<!tpu.dma_semaphore, #tpu.memory_space<semaphore_mem>>
      %dma_start3A = arith.constant 0 : i32
      %dma_start3A_63 = tpu.memref_slice %arg7[%add3A_5, %dma_start3A] : memref<10112x128xf32, #tpu.memory_space<vmem_shared>> -> memref<128x128xf32, #tpu.memory_space<vmem_shared>>
      tpu.enqueue_dma source(%arg5 : memref<128x128xf32, #tpu.memory_space<hbm>>) target(%dma_start3A_63 : memref<128x128xf32, #tpu.memory_space<vmem_shared>>) target_semaphore(%run_scoped3A : memref<!tpu.dma_semaphore, #tpu.memory_space<semaphore_mem>>)
      %dma_wait3A_64 = arith.constant 0 : i32
      %dma_wait3A_65 = tpu.memref_slice %arg7[%add3A_5, %dma_wait3A_64] : memref<10112x128xf32, #tpu.memory_space<vmem_shared>> -> memref<128x128xf32, #tpu.memory_space<vmem_shared>>
      tpu.wait_dma2 semaphore(%run_scoped3A : memref<!tpu.dma_semaphore, #tpu.memory_space<semaphore_mem>>) src(%arg5 : memref<128x128xf32, #tpu.memory_space<hbm>>) dst(%dma_wait3A_65 : memref<128x128xf32, #tpu.memory_space<vmem_shared>>)
      tpu.yield
    }) : () -> ()
    %add3A_6 = arith.constant 384 : i32
    %add3A_7 = arith.addi %mul3A_0, %add3A_6 : i32
    "tpu.region"() ({
      %run_scoped3A = tpu.sem_alloc : memref<!tpu.dma_semaphore, #tpu.memory_space<semaphore_mem>>
      %dma_start3A = arith.constant 0 : i32
      %dma_start3A_63 = tpu.memref_slice %arg7[%add3A_7, %dma_start3A] : memref<10112x128xf32, #tpu.memory_space<vmem_shared>> -> memref<128x128xf32, #tpu.memory_space<vmem_shared>>
      tpu.enqueue_dma source(%arg5 : memref<128x128xf32, #tpu.memory_space<hbm>>) target(%dma_start3A_63 : memref<128x128xf32, #tpu.memory_space<vmem_shared>>) target_semaphore(%run_scoped3A : memref<!tpu.dma_semaphore, #tpu.memory_space<semaphore_mem>>)
      %dma_wait3A_64 = arith.constant 0 : i32
      %dma_wait3A_65 = tpu.memref_slice %arg7[%add3A_7, %dma_wait3A_64] : memref<10112x128xf32, #tpu.memory_space<vmem_shared>> -> memref<128x128xf32, #tpu.memory_space<vmem_shared>>
      tpu.wait_dma2 semaphore(%run_scoped3A : memref<!tpu.dma_semaphore, #tpu.memory_space<semaphore_mem>>) src(%arg5 : memref<128x128xf32, #tpu.memory_space<hbm>>) dst(%dma_wait3A_65 : memref<128x128xf32, #tpu.memory_space<vmem_shared>>)
      tpu.yield
    }) : () -> ()
    %add3A_8 = arith.constant 512 : i32
    %add3A_9 = arith.addi %mul3A_0, %add3A_8 : i32
    "tpu.region"() ({
      %run_scoped3A = tpu.sem_alloc : memref<!tpu.dma_semaphore, #tpu.memory_space<semaphore_mem>>
      %dma_start3A = arith.constant 0 : i32
      %dma_start3A_63 = tpu.memref_slice %arg7[%add3A_9, %dma_start3A] : memref<10112x128xf32, #tpu.memory_space<vmem_shared>> -> memref<120x128xf32, #tpu.memory_space<vmem_shared>>
      %dma_start3A_64 = arith.constant 0 : i32
      %dma_start3A_65 = arith.constant 0 : i32
      %dma_start3A_66 = tpu.memref_slice %arg5[%dma_start3A_64, %dma_start3A_65] : memref<128x128xf32, #tpu.memory_space<hbm>> -> memref<120x128xf32, #tpu.memory_space<hbm>>
      tpu.enqueue_dma source(%dma_start3A_66 : memref<120x128xf32, #tpu.memory_space<hbm>>) target(%dma_start3A_63 : memref<120x128xf32, #tpu.memory_space<vmem_shared>>) target_semaphore(%run_scoped3A : memref<!tpu.dma_semaphore, #tpu.memory_space<semaphore_mem>>)
      %dma_wait3A_67 = arith.constant 0 : i32
      %dma_wait3A_68 = tpu.memref_slice %arg7[%add3A_9, %dma_wait3A_67] : memref<10112x128xf32, #tpu.memory_space<vmem_shared>> -> memref<120x128xf32, #tpu.memory_space<vmem_shared>>
      %dma_wait3A_69 = arith.constant 0 : i32
      %dma_wait3A_70 = arith.constant 0 : i32
      %dma_wait3A_71 = tpu.memref_slice %arg5[%dma_wait3A_69, %dma_wait3A_70] : memref<128x128xf32, #tpu.memory_space<hbm>> -> memref<120x128xf32, #tpu.memory_space<hbm>>
      tpu.wait_dma2 semaphore(%run_scoped3A : memref<!tpu.dma_semaphore, #tpu.memory_space<semaphore_mem>>) src(%dma_wait3A_71 : memref<120x128xf32, #tpu.memory_space<hbm>>) dst(%dma_wait3A_68 : memref<120x128xf32, #tpu.memory_space<vmem_shared>>)
      tpu.yield
    }) : () -> ()
    %barrier3A = arith.constant 0 : index
    tpu.barrier barrier_id(%barrier3A)
    %mul3A_10 = arith.constant 2 : i32
    %mul3A_11 = arith.muli %arg1, %mul3A_10 : i32
    %add3A_12 = arith.addi %mul3A_11, %arg0 : i32
    %mul3A_13 = arith.constant 80 : i32
    %mul3A_14 = arith.muli %add3A_12, %mul3A_13 : i32
    %add3A_15 = arith.constant 0 : i32
    %add3A_16 = arith.addi %mul3A_14, %add3A_15 : i32
    %multiple_of3A = tpu.assume_multiple %add3A_16, 8 : i32
    "tpu.region"() ({
      %run_scoped3A = tpu.sem_alloc : memref<!tpu.dma_semaphore, #tpu.memory_space<semaphore_mem>>
      %dma_start3A = arith.constant 0 : i32
      %dma_start3A_63 = tpu.memref_slice %arg3[%multiple_of3A, %dma_start3A] : memref<2600x128xi32, #tpu.memory_space<hbm>> -> memref<40x128xi32, #tpu.memory_space<hbm>>
      %dma_start3A_64 = arith.constant 0 : i32
      %dma_start3A_65 = tpu.memref_slice %arg3[%multiple_of3A, %dma_start3A_64] : memref<2600x128xi32, #tpu.memory_space<hbm>> -> memref<40x128xi32, #tpu.memory_space<hbm>>
      tpu.enqueue_dma source(%dma_start3A_65 : memref<40x128xi32, #tpu.memory_space<hbm>>) target(%arg8 : memref<40x128xi32, #tpu.memory_space<vmem>>) target_semaphore(%run_scoped3A : memref<!tpu.dma_semaphore, #tpu.memory_space<semaphore_mem>>)
      %dma_wait3A_66 = arith.constant 0 : i32
      %dma_wait3A_67 = tpu.memref_slice %arg3[%multiple_of3A, %dma_wait3A_66] : memref<2600x128xi32, #tpu.memory_space<hbm>> -> memref<40x128xi32, #tpu.memory_space<hbm>>
      %dma_wait3A_68 = arith.constant 0 : i32
      %dma_wait3A_69 = tpu.memref_slice %arg3[%multiple_of3A, %dma_wait3A_68] : memref<2600x128xi32, #tpu.memory_space<hbm>> -> memref<40x128xi32, #tpu.memory_space<hbm>>
      tpu.wait_dma2 semaphore(%run_scoped3A : memref<!tpu.dma_semaphore, #tpu.memory_space<semaphore_mem>>) src(%dma_wait3A_69 : memref<40x128xi32, #tpu.memory_space<hbm>>) dst(%arg8 : memref<40x128xi32, #tpu.memory_space<vmem>>)
      tpu.yield
    }) : () -> ()
    "tpu.region"() ({
      %run_scoped3A = tpu.sem_alloc : memref<!tpu.dma_semaphore, #tpu.memory_space<semaphore_mem>>
      %dma_start3A = arith.constant 0 : i32
      %dma_start3A_63 = tpu.memref_slice %arg4[%multiple_of3A, %dma_start3A] : memref<2600x128xi32, #tpu.memory_space<hbm>> -> memref<40x128xi32, #tpu.memory_space<hbm>>
      %dma_start3A_64 = arith.constant 0 : i32
      %dma_start3A_65 = tpu.memref_slice %arg4[%multiple_of3A, %dma_start3A_64] : memref<2600x128xi32, #tpu.memory_space<hbm>> -> memref<40x128xi32, #tpu.memory_space<hbm>>
      tpu.enqueue_dma source(%dma_start3A_65 : memref<40x128xi32, #tpu.memory_space<hbm>>) target(%arg9 : memref<40x128xi32, #tpu.memory_space<vmem>>) target_semaphore(%run_scoped3A : memref<!tpu.dma_semaphore, #tpu.memory_space<semaphore_mem>>)
      %dma_wait3A_66 = arith.constant 0 : i32
      %dma_wait3A_67 = tpu.memref_slice %arg4[%multiple_of3A, %dma_wait3A_66] : memref<2600x128xi32, #tpu.memory_space<hbm>> -> memref<40x128xi32, #tpu.memory_space<hbm>>
      %dma_wait3A_68 = arith.constant 0 : i32
      %dma_wait3A_69 = tpu.memref_slice %arg4[%multiple_of3A, %dma_wait3A_68] : memref<2600x128xi32, #tpu.memory_space<hbm>> -> memref<40x128xi32, #tpu.memory_space<hbm>>
      tpu.wait_dma2 semaphore(%run_scoped3A : memref<!tpu.dma_semaphore, #tpu.memory_space<semaphore_mem>>) src(%dma_wait3A_69 : memref<40x128xi32, #tpu.memory_space<hbm>>) dst(%arg9 : memref<40x128xi32, #tpu.memory_space<vmem>>)
      tpu.yield
    }) : () -> ()
    %scan3A = arith.constant 0 : i32
    %scan3A_17 = arith.constant 0 : i32
    %scan3A_18 = arith.constant 20 : i32
    %scan3A_19 = arith.addi %scan3A_17, %scan3A_18 : i32
    %scan3A_20 = arith.constant 1 : i32
    scf.for %scan3A_63 = %scan3A_17 to %scan3A_19 step %scan3A_20  : i32 {
      %mul3A_64 = arith.constant 2 : i32
      %mul3A_65 = arith.muli %scan3A_63, %mul3A_64 : i32
      %add3A_66 = arith.constant 0 : i32
      %add3A_67 = arith.addi %mul3A_65, %add3A_66 : i32
      %gt3A = arith.constant 0 : i32
      %gt3A_68 = arith.cmpi sgt, %scan3A_63, %gt3A : i32
      %convert_element_type3A = arith.extui %gt3A_68 : i1 to i32
      %cond3A = arith.constant 0 : i32
      %cond3A_69 = arith.cmpi ne, %convert_element_type3A, %cond3A : i32
      scf.if %cond3A_69 {
        %dma_wait3A_122 = arith.constant 0 : i32
        %dma_wait3A_123 = tpu.memref_slice %arg9[%add3A_67, %dma_wait3A_122] : memref<40x128xi32, #tpu.memory_space<vmem>> -> memref<1x128xi32, #tpu.memory_space<vmem>>
        %dma_wait3A_124 = tpu.memref_squeeze %dma_wait3A_123 : memref<1x128xi32, #tpu.memory_space<vmem>> -> memref<128xi32, #tpu.memory_space<vmem>>
        %dma_wait3A_125 = arith.constant 0 : i32
        %dma_wait3A_126 = arith.constant 0 : i32
        %dma_wait3A_127 = tpu.memref_slice %arg7[%dma_wait3A_125, %dma_wait3A_126] : memref<10112x128xf32, #tpu.memory_space<vmem_shared>> -> memref<10112x128xf32, #tpu.memory_space<vmem_shared>>
        tpu.wait_indirect_dma semaphore(%arg14 : memref<!tpu.dma_semaphore, #tpu.memory_space<semaphore_mem>>) src(%arg10 : memref<128x128xf32, #tpu.memory_space<vmem>>) dst(%dma_wait3A_127 : memref<10112x128xf32, #tpu.memory_space<vmem_shared>>)
      } else {
      }
      %dma_start3A = arith.constant 0 : i32
      %dma_start3A_70 = tpu.memref_slice %arg8[%add3A_67, %dma_start3A] : memref<40x128xi32, #tpu.memory_space<vmem>> -> memref<1x128xi32, #tpu.memory_space<vmem>>
      %dma_start3A_71 = tpu.memref_squeeze %dma_start3A_70 : memref<1x128xi32, #tpu.memory_space<vmem>> -> memref<128xi32, #tpu.memory_space<vmem>>
      %dma_start3A_72 = arith.constant 0 : i32
      %dma_start3A_73 = arith.constant 0 : i32
      %dma_start3A_74 = tpu.memref_slice %arg2[%dma_start3A_72, %dma_start3A_73] : memref<10112x128xf32, #tpu.memory_space<hbm>> -> memref<10112x128xf32, #tpu.memory_space<hbm>>
      tpu.enqueue_indirect_dma source(%dma_start3A_74 : memref<10112x128xf32, #tpu.memory_space<hbm>>) target(%arg10 : memref<128x128xf32, #tpu.memory_space<vmem>>) offsets(%dma_start3A_71 : memref<128xi32, #tpu.memory_space<vmem>>) semaphore(%arg12 : memref<!tpu.dma_semaphore, #tpu.memory_space<semaphore_mem>>)
      %mul3A_75 = arith.constant 2 : i32
      %mul3A_76 = arith.muli %scan3A_63, %mul3A_75 : i32
      %add3A_77 = arith.constant 1 : i32
      %add3A_78 = arith.addi %mul3A_76, %add3A_77 : i32
      %gt3A_79 = arith.constant 0 : i32
      %gt3A_80 = arith.cmpi sgt, %scan3A_63, %gt3A_79 : i32
      %convert_element_type3A_81 = arith.extui %gt3A_80 : i1 to i32
      %cond3A_82 = arith.constant 0 : i32
      %cond3A_83 = arith.cmpi ne, %convert_element_type3A_81, %cond3A_82 : i32
      scf.if %cond3A_83 {
        %dma_wait3A_122 = arith.constant 0 : i32
        %dma_wait3A_123 = tpu.memref_slice %arg9[%add3A_78, %dma_wait3A_122] : memref<40x128xi32, #tpu.memory_space<vmem>> -> memref<1x128xi32, #tpu.memory_space<vmem>>
        %dma_wait3A_124 = tpu.memref_squeeze %dma_wait3A_123 : memref<1x128xi32, #tpu.memory_space<vmem>> -> memref<128xi32, #tpu.memory_space<vmem>>
        %dma_wait3A_125 = arith.constant 0 : i32
        %dma_wait3A_126 = arith.constant 0 : i32
        %dma_wait3A_127 = tpu.memref_slice %arg7[%dma_wait3A_125, %dma_wait3A_126] : memref<10112x128xf32, #tpu.memory_space<vmem_shared>> -> memref<10112x128xf32, #tpu.memory_space<vmem_shared>>
        tpu.wait_indirect_dma semaphore(%arg15 : memref<!tpu.dma_semaphore, #tpu.memory_space<semaphore_mem>>) src(%arg11 : memref<128x128xf32, #tpu.memory_space<vmem>>) dst(%dma_wait3A_127 : memref<10112x128xf32, #tpu.memory_space<vmem_shared>>)
      } else {
      }
      %dma_start3A_84 = arith.constant 0 : i32
      %dma_start3A_85 = tpu.memref_slice %arg8[%add3A_78, %dma_start3A_84] : memref<40x128xi32, #tpu.memory_space<vmem>> -> memref<1x128xi32, #tpu.memory_space<vmem>>
      %dma_start3A_86 = tpu.memref_squeeze %dma_start3A_85 : memref<1x128xi32, #tpu.memory_space<vmem>> -> memref<128xi32, #tpu.memory_space<vmem>>
      %dma_start3A_87 = arith.constant 0 : i32
      %dma_start3A_88 = arith.constant 0 : i32
      %dma_start3A_89 = tpu.memref_slice %arg2[%dma_start3A_87, %dma_start3A_88] : memref<10112x128xf32, #tpu.memory_space<hbm>> -> memref<10112x128xf32, #tpu.memory_space<hbm>>
      tpu.enqueue_indirect_dma source(%dma_start3A_89 : memref<10112x128xf32, #tpu.memory_space<hbm>>) target(%arg11 : memref<128x128xf32, #tpu.memory_space<vmem>>) offsets(%dma_start3A_86 : memref<128xi32, #tpu.memory_space<vmem>>) semaphore(%arg13 : memref<!tpu.dma_semaphore, #tpu.memory_space<semaphore_mem>>)
      %mul3A_90 = arith.constant 2 : i32
      %mul3A_91 = arith.muli %scan3A_63, %mul3A_90 : i32
      %add3A_92 = arith.constant 0 : i32
      %add3A_93 = arith.addi %mul3A_91, %add3A_92 : i32
      %dma_wait3A_94 = arith.constant 0 : i32
      %dma_wait3A_95 = tpu.memref_slice %arg8[%add3A_93, %dma_wait3A_94] : memref<40x128xi32, #tpu.memory_space<vmem>> -> memref<1x128xi32, #tpu.memory_space<vmem>>
      %dma_wait3A_96 = tpu.memref_squeeze %dma_wait3A_95 : memref<1x128xi32, #tpu.memory_space<vmem>> -> memref<128xi32, #tpu.memory_space<vmem>>
      %dma_wait3A_97 = arith.constant 0 : i32
      %dma_wait3A_98 = arith.constant 0 : i32
      %dma_wait3A_99 = tpu.memref_slice %arg2[%dma_wait3A_97, %dma_wait3A_98] : memref<10112x128xf32, #tpu.memory_space<hbm>> -> memref<10112x128xf32, #tpu.memory_space<hbm>>
      tpu.wait_indirect_dma semaphore(%arg12 : memref<!tpu.dma_semaphore, #tpu.memory_space<semaphore_mem>>) src(%dma_wait3A_99 : memref<10112x128xf32, #tpu.memory_space<hbm>>) dst(%arg10 : memref<128x128xf32, #tpu.memory_space<vmem>>)
      %dma_start3A_100 = arith.constant 0 : i32
      %dma_start3A_101 = tpu.memref_slice %arg9[%add3A_93, %dma_start3A_100] : memref<40x128xi32, #tpu.memory_space<vmem>> -> memref<1x128xi32, #tpu.memory_space<vmem>>
      %dma_start3A_102 = tpu.memref_squeeze %dma_start3A_101 : memref<1x128xi32, #tpu.memory_space<vmem>> -> memref<128xi32, #tpu.memory_space<vmem>>
      %dma_start3A_103 = arith.constant 0 : i32
      %dma_start3A_104 = arith.constant 0 : i32
      %dma_start3A_105 = tpu.memref_slice %arg7[%dma_start3A_103, %dma_start3A_104] : memref<10112x128xf32, #tpu.memory_space<vmem_shared>> -> memref<10112x128xf32, #tpu.memory_space<vmem_shared>>
      tpu.enqueue_indirect_dma source(%arg10 : memref<128x128xf32, #tpu.memory_space<vmem>>) target(%dma_start3A_105 : memref<10112x128xf32, #tpu.memory_space<vmem_shared>>) offsets(%dma_start3A_102 : memref<128xi32, #tpu.memory_space<vmem>>) semaphore(%arg14 : memref<!tpu.dma_semaphore, #tpu.memory_space<semaphore_mem>>) {add = true}
      %mul3A_106 = arith.constant 2 : i32
      %mul3A_107 = arith.muli %scan3A_63, %mul3A_106 : i32
      %add3A_108 = arith.constant 1 : i32
      %add3A_109 = arith.addi %mul3A_107, %add3A_108 : i32
      %dma_wait3A_110 = arith.constant 0 : i32
      %dma_wait3A_111 = tpu.memref_slice %arg8[%add3A_109, %dma_wait3A_110] : memref<40x128xi32, #tpu.memory_space<vmem>> -> memref<1x128xi32, #tpu.memory_space<vmem>>
      %dma_wait3A_112 = tpu.memref_squeeze %dma_wait3A_111 : memref<1x128xi32, #tpu.memory_space<vmem>> -> memref<128xi32, #tpu.memory_space<vmem>>
      %dma_wait3A_113 = arith.constant 0 : i32
      %dma_wait3A_114 = arith.constant 0 : i32
      %dma_wait3A_115 = tpu.memref_slice %arg2[%dma_wait3A_113, %dma_wait3A_114] : memref<10112x128xf32, #tpu.memory_space<hbm>> -> memref<10112x128xf32, #tpu.memory_space<hbm>>
      tpu.wait_indirect_dma semaphore(%arg13 : memref<!tpu.dma_semaphore, #tpu.memory_space<semaphore_mem>>) src(%dma_wait3A_115 : memref<10112x128xf32, #tpu.memory_space<hbm>>) dst(%arg11 : memref<128x128xf32, #tpu.memory_space<vmem>>)
      %dma_start3A_116 = arith.constant 0 : i32
      %dma_start3A_117 = tpu.memref_slice %arg9[%add3A_109, %dma_start3A_116] : memref<40x128xi32, #tpu.memory_space<vmem>> -> memref<1x128xi32, #tpu.memory_space<vmem>>
      %dma_start3A_118 = tpu.memref_squeeze %dma_start3A_117 : memref<1x128xi32, #tpu.memory_space<vmem>> -> memref<128xi32, #tpu.memory_space<vmem>>
      %dma_start3A_119 = arith.constant 0 : i32
      %dma_start3A_120 = arith.constant 0 : i32
      %dma_start3A_121 = tpu.memref_slice %arg7[%dma_start3A_119, %dma_start3A_120] : memref<10112x128xf32, #tpu.memory_space<vmem_shared>> -> memref<10112x128xf32, #tpu.memory_space<vmem_shared>>
      tpu.enqueue_indirect_dma source(%arg11 : memref<128x128xf32, #tpu.memory_space<vmem>>) target(%dma_start3A_121 : memref<10112x128xf32, #tpu.memory_space<vmem_shared>>) offsets(%dma_start3A_118 : memref<128xi32, #tpu.memory_space<vmem>>) semaphore(%arg15 : memref<!tpu.dma_semaphore, #tpu.memory_space<semaphore_mem>>) {add = true}
    }
    %scan3A_21 = arith.constant 20 : i32
    %dma_wait3A = arith.constant 0 : i32
    %dma_wait3A_22 = arith.constant 0 : i32
    %dma_wait3A_23 = tpu.memref_slice %arg9[%dma_wait3A, %dma_wait3A_22] : memref<40x128xi32, #tpu.memory_space<vmem>> -> memref<1x128xi32, #tpu.memory_space<vmem>>
    %dma_wait3A_24 = tpu.memref_squeeze %dma_wait3A_23 : memref<1x128xi32, #tpu.memory_space<vmem>> -> memref<128xi32, #tpu.memory_space<vmem>>
    %dma_wait3A_25 = arith.constant 0 : i32
    %dma_wait3A_26 = arith.constant 0 : i32
    %dma_wait3A_27 = tpu.memref_slice %arg7[%dma_wait3A_25, %dma_wait3A_26] : memref<10112x128xf32, #tpu.memory_space<vmem_shared>> -> memref<10112x128xf32, #tpu.memory_space<vmem_shared>>
    tpu.wait_indirect_dma semaphore(%arg14 : memref<!tpu.dma_semaphore, #tpu.memory_space<semaphore_mem>>) src(%arg10 : memref<128x128xf32, #tpu.memory_space<vmem>>) dst(%dma_wait3A_27 : memref<10112x128xf32, #tpu.memory_space<vmem_shared>>)
    %dma_wait3A_28 = arith.constant 0 : i32
    %dma_wait3A_29 = arith.constant 0 : i32
    %dma_wait3A_30 = tpu.memref_slice %arg9[%dma_wait3A_28, %dma_wait3A_29] : memref<40x128xi32, #tpu.memory_space<vmem>> -> memref<1x128xi32, #tpu.memory_space<vmem>>
    %dma_wait3A_31 = tpu.memref_squeeze %dma_wait3A_30 : memref<1x128xi32, #tpu.memory_space<vmem>> -> memref<128xi32, #tpu.memory_space<vmem>>
    %dma_wait3A_32 = arith.constant 0 : i32
    %dma_wait3A_33 = arith.constant 0 : i32
    %dma_wait3A_34 = tpu.memref_slice %arg7[%dma_wait3A_32, %dma_wait3A_33] : memref<10112x128xf32, #tpu.memory_space<vmem_shared>> -> memref<10112x128xf32, #tpu.memory_space<vmem_shared>>
    tpu.wait_indirect_dma semaphore(%arg15 : memref<!tpu.dma_semaphore, #tpu.memory_space<semaphore_mem>>) src(%arg11 : memref<128x128xf32, #tpu.memory_space<vmem>>) dst(%dma_wait3A_34 : memref<10112x128xf32, #tpu.memory_space<vmem_shared>>)
    %add3A_35 = arith.constant 40 : i32
    %add3A_36 = arith.addi %mul3A_14, %add3A_35 : i32
    %multiple_of3A_37 = tpu.assume_multiple %add3A_36, 8 : i32
    "tpu.region"() ({
      %run_scoped3A = tpu.sem_alloc : memref<!tpu.dma_semaphore, #tpu.memory_space<semaphore_mem>>
      %dma_start3A = arith.constant 0 : i32
      %dma_start3A_63 = tpu.memref_slice %arg3[%multiple_of3A_37, %dma_start3A] : memref<2600x128xi32, #tpu.memory_space<hbm>> -> memref<40x128xi32, #tpu.memory_space<hbm>>
      %dma_start3A_64 = arith.constant 0 : i32
      %dma_start3A_65 = tpu.memref_slice %arg3[%multiple_of3A_37, %dma_start3A_64] : memref<2600x128xi32, #tpu.memory_space<hbm>> -> memref<40x128xi32, #tpu.memory_space<hbm>>
      tpu.enqueue_dma source(%dma_start3A_65 : memref<40x128xi32, #tpu.memory_space<hbm>>) target(%arg8 : memref<40x128xi32, #tpu.memory_space<vmem>>) target_semaphore(%run_scoped3A : memref<!tpu.dma_semaphore, #tpu.memory_space<semaphore_mem>>)
      %dma_wait3A_66 = arith.constant 0 : i32
      %dma_wait3A_67 = tpu.memref_slice %arg3[%multiple_of3A_37, %dma_wait3A_66] : memref<2600x128xi32, #tpu.memory_space<hbm>> -> memref<40x128xi32, #tpu.memory_space<hbm>>
      %dma_wait3A_68 = arith.constant 0 : i32
      %dma_wait3A_69 = tpu.memref_slice %arg3[%multiple_of3A_37, %dma_wait3A_68] : memref<2600x128xi32, #tpu.memory_space<hbm>> -> memref<40x128xi32, #tpu.memory_space<hbm>>
      tpu.wait_dma2 semaphore(%run_scoped3A : memref<!tpu.dma_semaphore, #tpu.memory_space<semaphore_mem>>) src(%dma_wait3A_69 : memref<40x128xi32, #tpu.memory_space<hbm>>) dst(%arg8 : memref<40x128xi32, #tpu.memory_space<vmem>>)
      tpu.yield
    }) : () -> ()
    "tpu.region"() ({
      %run_scoped3A = tpu.sem_alloc : memref<!tpu.dma_semaphore, #tpu.memory_space<semaphore_mem>>
      %dma_start3A = arith.constant 0 : i32
      %dma_start3A_63 = tpu.memref_slice %arg4[%multiple_of3A_37, %dma_start3A] : memref<2600x128xi32, #tpu.memory_space<hbm>> -> memref<40x128xi32, #tpu.memory_space<hbm>>
      %dma_start3A_64 = arith.constant 0 : i32
      %dma_start3A_65 = tpu.memref_slice %arg4[%multiple_of3A_37, %dma_start3A_64] : memref<2600x128xi32, #tpu.memory_space<hbm>> -> memref<40x128xi32, #tpu.memory_space<hbm>>
      tpu.enqueue_dma source(%dma_start3A_65 : memref<40x128xi32, #tpu.memory_space<hbm>>) target(%arg9 : memref<40x128xi32, #tpu.memory_space<vmem>>) target_semaphore(%run_scoped3A : memref<!tpu.dma_semaphore, #tpu.memory_space<semaphore_mem>>)
      %dma_wait3A_66 = arith.constant 0 : i32
      %dma_wait3A_67 = tpu.memref_slice %arg4[%multiple_of3A_37, %dma_wait3A_66] : memref<2600x128xi32, #tpu.memory_space<hbm>> -> memref<40x128xi32, #tpu.memory_space<hbm>>
      %dma_wait3A_68 = arith.constant 0 : i32
      %dma_wait3A_69 = tpu.memref_slice %arg4[%multiple_of3A_37, %dma_wait3A_68] : memref<2600x128xi32, #tpu.memory_space<hbm>> -> memref<40x128xi32, #tpu.memory_space<hbm>>
      tpu.wait_dma2 semaphore(%run_scoped3A : memref<!tpu.dma_semaphore, #tpu.memory_space<semaphore_mem>>) src(%dma_wait3A_69 : memref<40x128xi32, #tpu.memory_space<hbm>>) dst(%arg9 : memref<40x128xi32, #tpu.memory_space<vmem>>)
      tpu.yield
    }) : () -> ()
    %scan3A_38 = arith.constant 0 : i32
    %scan3A_39 = arith.constant 0 : i32
    %scan3A_40 = arith.constant 20 : i32
    %scan3A_41 = arith.addi %scan3A_39, %scan3A_40 : i32
    %scan3A_42 = arith.constant 1 : i32
    scf.for %scan3A_63 = %scan3A_39 to %scan3A_41 step %scan3A_42  : i32 {
      %mul3A_64 = arith.constant 2 : i32
      %mul3A_65 = arith.muli %scan3A_63, %mul3A_64 : i32
      %add3A_66 = arith.constant 0 : i32
      %add3A_67 = arith.addi %mul3A_65, %add3A_66 : i32
      %gt3A = arith.constant 0 : i32
      %gt3A_68 = arith.cmpi sgt, %scan3A_63, %gt3A : i32
      %convert_element_type3A = arith.extui %gt3A_68 : i1 to i32
      %cond3A = arith.constant 0 : i32
      %cond3A_69 = arith.cmpi ne, %convert_element_type3A, %cond3A : i32
      scf.if %cond3A_69 {
        %dma_wait3A_122 = arith.constant 0 : i32
        %dma_wait3A_123 = tpu.memref_slice %arg9[%add3A_67, %dma_wait3A_122] : memref<40x128xi32, #tpu.memory_space<vmem>> -> memref<1x128xi32, #tpu.memory_space<vmem>>
        %dma_wait3A_124 = tpu.memref_squeeze %dma_wait3A_123 : memref<1x128xi32, #tpu.memory_space<vmem>> -> memref<128xi32, #tpu.memory_space<vmem>>
        %dma_wait3A_125 = arith.constant 0 : i32
        %dma_wait3A_126 = arith.constant 0 : i32
        %dma_wait3A_127 = tpu.memref_slice %arg7[%dma_wait3A_125, %dma_wait3A_126] : memref<10112x128xf32, #tpu.memory_space<vmem_shared>> -> memref<10112x128xf32, #tpu.memory_space<vmem_shared>>
        tpu.wait_indirect_dma semaphore(%arg14 : memref<!tpu.dma_semaphore, #tpu.memory_space<semaphore_mem>>) src(%arg10 : memref<128x128xf32, #tpu.memory_space<vmem>>) dst(%dma_wait3A_127 : memref<10112x128xf32, #tpu.memory_space<vmem_shared>>)
      } else {
      }
      %dma_start3A = arith.constant 0 : i32
      %dma_start3A_70 = tpu.memref_slice %arg8[%add3A_67, %dma_start3A] : memref<40x128xi32, #tpu.memory_space<vmem>> -> memref<1x128xi32, #tpu.memory_space<vmem>>
      %dma_start3A_71 = tpu.memref_squeeze %dma_start3A_70 : memref<1x128xi32, #tpu.memory_space<vmem>> -> memref<128xi32, #tpu.memory_space<vmem>>
      %dma_start3A_72 = arith.constant 0 : i32
      %dma_start3A_73 = arith.constant 0 : i32
      %dma_start3A_74 = tpu.memref_slice %arg2[%dma_start3A_72, %dma_start3A_73] : memref<10112x128xf32, #tpu.memory_space<hbm>> -> memref<10112x128xf32, #tpu.memory_space<hbm>>
      tpu.enqueue_indirect_dma source(%dma_start3A_74 : memref<10112x128xf32, #tpu.memory_space<hbm>>) target(%arg10 : memref<128x128xf32, #tpu.memory_space<vmem>>) offsets(%dma_start3A_71 : memref<128xi32, #tpu.memory_space<vmem>>) semaphore(%arg12 : memref<!tpu.dma_semaphore, #tpu.memory_space<semaphore_mem>>)
      %mul3A_75 = arith.constant 2 : i32
      %mul3A_76 = arith.muli %scan3A_63, %mul3A_75 : i32
      %add3A_77 = arith.constant 1 : i32
      %add3A_78 = arith.addi %mul3A_76, %add3A_77 : i32
      %gt3A_79 = arith.constant 0 : i32
      %gt3A_80 = arith.cmpi sgt, %scan3A_63, %gt3A_79 : i32
      %convert_element_type3A_81 = arith.extui %gt3A_80 : i1 to i32
      %cond3A_82 = arith.constant 0 : i32
      %cond3A_83 = arith.cmpi ne, %convert_element_type3A_81, %cond3A_82 : i32
      scf.if %cond3A_83 {
        %dma_wait3A_122 = arith.constant 0 : i32
        %dma_wait3A_123 = tpu.memref_slice %arg9[%add3A_78, %dma_wait3A_122] : memref<40x128xi32, #tpu.memory_space<vmem>> -> memref<1x128xi32, #tpu.memory_space<vmem>>
        %dma_wait3A_124 = tpu.memref_squeeze %dma_wait3A_123 : memref<1x128xi32, #tpu.memory_space<vmem>> -> memref<128xi32, #tpu.memory_space<vmem>>
        %dma_wait3A_125 = arith.constant 0 : i32
        %dma_wait3A_126 = arith.constant 0 : i32
        %dma_wait3A_127 = tpu.memref_slice %arg7[%dma_wait3A_125, %dma_wait3A_126] : memref<10112x128xf32, #tpu.memory_space<vmem_shared>> -> memref<10112x128xf32, #tpu.memory_space<vmem_shared>>
        tpu.wait_indirect_dma semaphore(%arg15 : memref<!tpu.dma_semaphore, #tpu.memory_space<semaphore_mem>>) src(%arg11 : memref<128x128xf32, #tpu.memory_space<vmem>>) dst(%dma_wait3A_127 : memref<10112x128xf32, #tpu.memory_space<vmem_shared>>)
      } else {
      }
      %dma_start3A_84 = arith.constant 0 : i32
      %dma_start3A_85 = tpu.memref_slice %arg8[%add3A_78, %dma_start3A_84] : memref<40x128xi32, #tpu.memory_space<vmem>> -> memref<1x128xi32, #tpu.memory_space<vmem>>
      %dma_start3A_86 = tpu.memref_squeeze %dma_start3A_85 : memref<1x128xi32, #tpu.memory_space<vmem>> -> memref<128xi32, #tpu.memory_space<vmem>>
      %dma_start3A_87 = arith.constant 0 : i32
      %dma_start3A_88 = arith.constant 0 : i32
      %dma_start3A_89 = tpu.memref_slice %arg2[%dma_start3A_87, %dma_start3A_88] : memref<10112x128xf32, #tpu.memory_space<hbm>> -> memref<10112x128xf32, #tpu.memory_space<hbm>>
      tpu.enqueue_indirect_dma source(%dma_start3A_89 : memref<10112x128xf32, #tpu.memory_space<hbm>>) target(%arg11 : memref<128x128xf32, #tpu.memory_space<vmem>>) offsets(%dma_start3A_86 : memref<128xi32, #tpu.memory_space<vmem>>) semaphore(%arg13 : memref<!tpu.dma_semaphore, #tpu.memory_space<semaphore_mem>>)
      %mul3A_90 = arith.constant 2 : i32
      %mul3A_91 = arith.muli %scan3A_63, %mul3A_90 : i32
      %add3A_92 = arith.constant 0 : i32
      %add3A_93 = arith.addi %mul3A_91, %add3A_92 : i32
      %dma_wait3A_94 = arith.constant 0 : i32
      %dma_wait3A_95 = tpu.memref_slice %arg8[%add3A_93, %dma_wait3A_94] : memref<40x128xi32, #tpu.memory_space<vmem>> -> memref<1x128xi32, #tpu.memory_space<vmem>>
      %dma_wait3A_96 = tpu.memref_squeeze %dma_wait3A_95 : memref<1x128xi32, #tpu.memory_space<vmem>> -> memref<128xi32, #tpu.memory_space<vmem>>
      %dma_wait3A_97 = arith.constant 0 : i32
      %dma_wait3A_98 = arith.constant 0 : i32
      %dma_wait3A_99 = tpu.memref_slice %arg2[%dma_wait3A_97, %dma_wait3A_98] : memref<10112x128xf32, #tpu.memory_space<hbm>> -> memref<10112x128xf32, #tpu.memory_space<hbm>>
      tpu.wait_indirect_dma semaphore(%arg12 : memref<!tpu.dma_semaphore, #tpu.memory_space<semaphore_mem>>) src(%dma_wait3A_99 : memref<10112x128xf32, #tpu.memory_space<hbm>>) dst(%arg10 : memref<128x128xf32, #tpu.memory_space<vmem>>)
      %dma_start3A_100 = arith.constant 0 : i32
      %dma_start3A_101 = tpu.memref_slice %arg9[%add3A_93, %dma_start3A_100] : memref<40x128xi32, #tpu.memory_space<vmem>> -> memref<1x128xi32, #tpu.memory_space<vmem>>
      %dma_start3A_102 = tpu.memref_squeeze %dma_start3A_101 : memref<1x128xi32, #tpu.memory_space<vmem>> -> memref<128xi32, #tpu.memory_space<vmem>>
      %dma_start3A_103 = arith.constant 0 : i32
      %dma_start3A_104 = arith.constant 0 : i32
      %dma_start3A_105 = tpu.memref_slice %arg7[%dma_start3A_103, %dma_start3A_104] : memref<10112x128xf32, #tpu.memory_space<vmem_shared>> -> memref<10112x128xf32, #tpu.memory_space<vmem_shared>>
      tpu.enqueue_indirect_dma source(%arg10 : memref<128x128xf32, #tpu.memory_space<vmem>>) target(%dma_start3A_105 : memref<10112x128xf32, #tpu.memory_space<vmem_shared>>) offsets(%dma_start3A_102 : memref<128xi32, #tpu.memory_space<vmem>>) semaphore(%arg14 : memref<!tpu.dma_semaphore, #tpu.memory_space<semaphore_mem>>) {add = true}
      %mul3A_106 = arith.constant 2 : i32
      %mul3A_107 = arith.muli %scan3A_63, %mul3A_106 : i32
      %add3A_108 = arith.constant 1 : i32
      %add3A_109 = arith.addi %mul3A_107, %add3A_108 : i32
      %dma_wait3A_110 = arith.constant 0 : i32
      %dma_wait3A_111 = tpu.memref_slice %arg8[%add3A_109, %dma_wait3A_110] : memref<40x128xi32, #tpu.memory_space<vmem>> -> memref<1x128xi32, #tpu.memory_space<vmem>>
      %dma_wait3A_112 = tpu.memref_squeeze %dma_wait3A_111 : memref<1x128xi32, #tpu.memory_space<vmem>> -> memref<128xi32, #tpu.memory_space<vmem>>
      %dma_wait3A_113 = arith.constant 0 : i32
      %dma_wait3A_114 = arith.constant 0 : i32
      %dma_wait3A_115 = tpu.memref_slice %arg2[%dma_wait3A_113, %dma_wait3A_114] : memref<10112x128xf32, #tpu.memory_space<hbm>> -> memref<10112x128xf32, #tpu.memory_space<hbm>>
      tpu.wait_indirect_dma semaphore(%arg13 : memref<!tpu.dma_semaphore, #tpu.memory_space<semaphore_mem>>) src(%dma_wait3A_115 : memref<10112x128xf32, #tpu.memory_space<hbm>>) dst(%arg11 : memref<128x128xf32, #tpu.memory_space<vmem>>)
      %dma_start3A_116 = arith.constant 0 : i32
      %dma_start3A_117 = tpu.memref_slice %arg9[%add3A_109, %dma_start3A_116] : memref<40x128xi32, #tpu.memory_space<vmem>> -> memref<1x128xi32, #tpu.memory_space<vmem>>
      %dma_start3A_118 = tpu.memref_squeeze %dma_start3A_117 : memref<1x128xi32, #tpu.memory_space<vmem>> -> memref<128xi32, #tpu.memory_space<vmem>>
      %dma_start3A_119 = arith.constant 0 : i32
      %dma_start3A_120 = arith.constant 0 : i32
      %dma_start3A_121 = tpu.memref_slice %arg7[%dma_start3A_119, %dma_start3A_120] : memref<10112x128xf32, #tpu.memory_space<vmem_shared>> -> memref<10112x128xf32, #tpu.memory_space<vmem_shared>>
      tpu.enqueue_indirect_dma source(%arg11 : memref<128x128xf32, #tpu.memory_space<vmem>>) target(%dma_start3A_121 : memref<10112x128xf32, #tpu.memory_space<vmem_shared>>) offsets(%dma_start3A_118 : memref<128xi32, #tpu.memory_space<vmem>>) semaphore(%arg15 : memref<!tpu.dma_semaphore, #tpu.memory_space<semaphore_mem>>) {add = true}
    }
    %scan3A_43 = arith.constant 20 : i32
    %dma_wait3A_44 = arith.constant 0 : i32
    %dma_wait3A_45 = arith.constant 0 : i32
    %dma_wait3A_46 = tpu.memref_slice %arg9[%dma_wait3A_44, %dma_wait3A_45] : memref<40x128xi32, #tpu.memory_space<vmem>> -> memref<1x128xi32, #tpu.memory_space<vmem>>
    %dma_wait3A_47 = tpu.memref_squeeze %dma_wait3A_46 : memref<1x128xi32, #tpu.memory_space<vmem>> -> memref<128xi32, #tpu.memory_space<vmem>>
    %dma_wait3A_48 = arith.constant 0 : i32
    %dma_wait3A_49 = arith.constant 0 : i32
    %dma_wait3A_50 = tpu.memref_slice %arg7[%dma_wait3A_48, %dma_wait3A_49] : memref<10112x128xf32, #tpu.memory_space<vmem_shared>> -> memref<10112x128xf32, #tpu.memory_space<vmem_shared>>
    tpu.wait_indirect_dma semaphore(%arg14 : memref<!tpu.dma_semaphore, #tpu.memory_space<semaphore_mem>>) src(%arg10 : memref<128x128xf32, #tpu.memory_space<vmem>>) dst(%dma_wait3A_50 : memref<10112x128xf32, #tpu.memory_space<vmem_shared>>)
    %dma_wait3A_51 = arith.constant 0 : i32
    %dma_wait3A_52 = arith.constant 0 : i32
    %dma_wait3A_53 = tpu.memref_slice %arg9[%dma_wait3A_51, %dma_wait3A_52] : memref<40x128xi32, #tpu.memory_space<vmem>> -> memref<1x128xi32, #tpu.memory_space<vmem>>
    %dma_wait3A_54 = tpu.memref_squeeze %dma_wait3A_53 : memref<1x128xi32, #tpu.memory_space<vmem>> -> memref<128xi32, #tpu.memory_space<vmem>>
    %dma_wait3A_55 = arith.constant 0 : i32
    %dma_wait3A_56 = arith.constant 0 : i32
    %dma_wait3A_57 = tpu.memref_slice %arg7[%dma_wait3A_55, %dma_wait3A_56] : memref<10112x128xf32, #tpu.memory_space<vmem_shared>> -> memref<10112x128xf32, #tpu.memory_space<vmem_shared>>
    tpu.wait_indirect_dma semaphore(%arg15 : memref<!tpu.dma_semaphore, #tpu.memory_space<semaphore_mem>>) src(%arg11 : memref<128x128xf32, #tpu.memory_space<vmem>>) dst(%dma_wait3A_57 : memref<10112x128xf32, #tpu.memory_space<vmem_shared>>)
    %barrier3A_58 = arith.constant 0 : index
    tpu.barrier barrier_id(%barrier3A_58)
    %mul3A_59 = arith.constant 632 : i32
    %mul3A_60 = arith.muli %arg1, %mul3A_59 : i32
    %mul3A_61 = arith.constant 632 : i32
    %mul3A_62 = arith.muli %arg1, %mul3A_61 : i32
    "tpu.region"() ({
      %run_scoped3A = tpu.sem_alloc : memref<!tpu.dma_semaphore, #tpu.memory_space<semaphore_mem>>
      %dma_start3A = arith.constant 0 : i32
      %dma_start3A_63 = tpu.memref_slice %arg6[%arg0, %mul3A_62, %dma_start3A] : memref<2x10112x128xf32, #tpu.memory_space<hbm>> -> memref<1x632x128xf32, #tpu.memory_space<hbm>>
      %dma_start3A_64 = tpu.memref_squeeze %dma_start3A_63 : memref<1x632x128xf32, #tpu.memory_space<hbm>> -> memref<632x128xf32, #tpu.memory_space<hbm>>
      %dma_start3A_65 = arith.constant 0 : i32
      %dma_start3A_66 = tpu.memref_slice %arg7[%mul3A_60, %dma_start3A_65] : memref<10112x128xf32, #tpu.memory_space<vmem_shared>> -> memref<632x128xf32, #tpu.memory_space<vmem_shared>>
      tpu.enqueue_dma source(%dma_start3A_66 : memref<632x128xf32, #tpu.memory_space<vmem_shared>>) target(%dma_start3A_64 : memref<632x128xf32, #tpu.memory_space<hbm>>) target_semaphore(%run_scoped3A : memref<!tpu.dma_semaphore, #tpu.memory_space<semaphore_mem>>)
      %dma_wait3A_67 = arith.constant 0 : i32
      %dma_wait3A_68 = tpu.memref_slice %arg6[%arg0, %mul3A_62, %dma_wait3A_67] : memref<2x10112x128xf32, #tpu.memory_space<hbm>> -> memref<1x632x128xf32, #tpu.memory_space<hbm>>
      %dma_wait3A_69 = tpu.memref_squeeze %dma_wait3A_68 : memref<1x632x128xf32, #tpu.memory_space<hbm>> -> memref<632x128xf32, #tpu.memory_space<hbm>>
      %dma_wait3A_70 = arith.constant 0 : i32
      %dma_wait3A_71 = tpu.memref_slice %arg7[%mul3A_60, %dma_wait3A_70] : memref<10112x128xf32, #tpu.memory_space<vmem_shared>> -> memref<632x128xf32, #tpu.memory_space<vmem_shared>>
      tpu.wait_dma2 semaphore(%run_scoped3A : memref<!tpu.dma_semaphore, #tpu.memory_space<semaphore_mem>>) src(%dma_wait3A_71 : memref<632x128xf32, #tpu.memory_space<vmem_shared>>) dst(%dma_wait3A_69 : memref<632x128xf32, #tpu.memory_space<hbm>>)
      tpu.yield
    }) : () -> ()
    return
  }
}

#map = affine_map<(d0, d1) -> (0, 0, 0)>
#map1 = affine_map<(d0, d1) -> (0, 0)>
module attributes {stable_mosaic.version = 14 : i64} {
  func.func @_dega_kernel(%arg0: i32, %arg1: i32, %arg2: memref<32x80x128xi32, #tpu.memory_space<hbm>>, %arg3: memref<128x128xf32, #tpu.memory_space<hbm>>, %arg4: memref<128x128xf32, #tpu.memory_space<hbm>>, %arg5: memref<2x10112x128xf32, #tpu.memory_space<hbm>>, %arg6: memref<10112x128xf32, #tpu.memory_space<vmem_shared>>, %arg7: memref<80x128xi32, #tpu.memory_space<vmem>>, %arg8: memref<128x128xf32, #tpu.memory_space<vmem>>, %arg9: memref<!tpu.dma_semaphore, #tpu.memory_space<semaphore_mem>>) attributes {dimension_semantics = [#tpu.dimension_semantics<core_parallel>, #tpu.dimension_semantics<subcore_parallel>], iteration_bounds = array<i64: 2, 16>, scalar_prefetch = 0 : i64, scratch_operands = 4 : i64, tpu.core_type = #tpu.core_type<sc_vector_subcore>, window_params = [{transform_indices = #map}, {transform_indices = #map1}, {transform_indices = #map1}, {transform_indices = #map}]} {
    %mul3A = arith.constant 2 : i32
    %mul3A_0 = arith.muli %arg1, %mul3A : i32
    %add3A = arith.addi %mul3A_0, %arg0 : i32
    %mul3A_1 = arith.constant 632 : i32
    %mul3A_2 = arith.muli %arg1, %mul3A_1 : i32
    %add3A_3 = arith.constant 0 : i32
    %add3A_4 = arith.addi %mul3A_2, %add3A_3 : i32
    "tpu.region"() ({
      %run_scoped3A = tpu.sem_alloc : memref<!tpu.dma_semaphore, #tpu.memory_space<semaphore_mem>>
      %dma_start3A = arith.constant 0 : i32
      %dma_start3A_50 = tpu.memref_slice %arg6[%add3A_4, %dma_start3A] : memref<10112x128xf32, #tpu.memory_space<vmem_shared>> -> memref<128x128xf32, #tpu.memory_space<vmem_shared>>
      tpu.enqueue_dma source(%arg4 : memref<128x128xf32, #tpu.memory_space<hbm>>) target(%dma_start3A_50 : memref<128x128xf32, #tpu.memory_space<vmem_shared>>) target_semaphore(%run_scoped3A : memref<!tpu.dma_semaphore, #tpu.memory_space<semaphore_mem>>)
      %dma_wait3A_51 = arith.constant 0 : i32
      %dma_wait3A_52 = tpu.memref_slice %arg6[%add3A_4, %dma_wait3A_51] : memref<10112x128xf32, #tpu.memory_space<vmem_shared>> -> memref<128x128xf32, #tpu.memory_space<vmem_shared>>
      tpu.wait_dma2 semaphore(%run_scoped3A : memref<!tpu.dma_semaphore, #tpu.memory_space<semaphore_mem>>) src(%arg4 : memref<128x128xf32, #tpu.memory_space<hbm>>) dst(%dma_wait3A_52 : memref<128x128xf32, #tpu.memory_space<vmem_shared>>)
      tpu.yield
    }) : () -> ()
    %add3A_5 = arith.constant 128 : i32
    %add3A_6 = arith.addi %mul3A_2, %add3A_5 : i32
    "tpu.region"() ({
      %run_scoped3A = tpu.sem_alloc : memref<!tpu.dma_semaphore, #tpu.memory_space<semaphore_mem>>
      %dma_start3A = arith.constant 0 : i32
      %dma_start3A_50 = tpu.memref_slice %arg6[%add3A_6, %dma_start3A] : memref<10112x128xf32, #tpu.memory_space<vmem_shared>> -> memref<128x128xf32, #tpu.memory_space<vmem_shared>>
      tpu.enqueue_dma source(%arg4 : memref<128x128xf32, #tpu.memory_space<hbm>>) target(%dma_start3A_50 : memref<128x128xf32, #tpu.memory_space<vmem_shared>>) target_semaphore(%run_scoped3A : memref<!tpu.dma_semaphore, #tpu.memory_space<semaphore_mem>>)
      %dma_wait3A_51 = arith.constant 0 : i32
      %dma_wait3A_52 = tpu.memref_slice %arg6[%add3A_6, %dma_wait3A_51] : memref<10112x128xf32, #tpu.memory_space<vmem_shared>> -> memref<128x128xf32, #tpu.memory_space<vmem_shared>>
      tpu.wait_dma2 semaphore(%run_scoped3A : memref<!tpu.dma_semaphore, #tpu.memory_space<semaphore_mem>>) src(%arg4 : memref<128x128xf32, #tpu.memory_space<hbm>>) dst(%dma_wait3A_52 : memref<128x128xf32, #tpu.memory_space<vmem_shared>>)
      tpu.yield
    }) : () -> ()
    %add3A_7 = arith.constant 256 : i32
    %add3A_8 = arith.addi %mul3A_2, %add3A_7 : i32
    "tpu.region"() ({
      %run_scoped3A = tpu.sem_alloc : memref<!tpu.dma_semaphore, #tpu.memory_space<semaphore_mem>>
      %dma_start3A = arith.constant 0 : i32
      %dma_start3A_50 = tpu.memref_slice %arg6[%add3A_8, %dma_start3A] : memref<10112x128xf32, #tpu.memory_space<vmem_shared>> -> memref<128x128xf32, #tpu.memory_space<vmem_shared>>
      tpu.enqueue_dma source(%arg4 : memref<128x128xf32, #tpu.memory_space<hbm>>) target(%dma_start3A_50 : memref<128x128xf32, #tpu.memory_space<vmem_shared>>) target_semaphore(%run_scoped3A : memref<!tpu.dma_semaphore, #tpu.memory_space<semaphore_mem>>)
      %dma_wait3A_51 = arith.constant 0 : i32
      %dma_wait3A_52 = tpu.memref_slice %arg6[%add3A_8, %dma_wait3A_51] : memref<10112x128xf32, #tpu.memory_space<vmem_shared>> -> memref<128x128xf32, #tpu.memory_space<vmem_shared>>
      tpu.wait_dma2 semaphore(%run_scoped3A : memref<!tpu.dma_semaphore, #tpu.memory_space<semaphore_mem>>) src(%arg4 : memref<128x128xf32, #tpu.memory_space<hbm>>) dst(%dma_wait3A_52 : memref<128x128xf32, #tpu.memory_space<vmem_shared>>)
      tpu.yield
    }) : () -> ()
    %add3A_9 = arith.constant 384 : i32
    %add3A_10 = arith.addi %mul3A_2, %add3A_9 : i32
    "tpu.region"() ({
      %run_scoped3A = tpu.sem_alloc : memref<!tpu.dma_semaphore, #tpu.memory_space<semaphore_mem>>
      %dma_start3A = arith.constant 0 : i32
      %dma_start3A_50 = tpu.memref_slice %arg6[%add3A_10, %dma_start3A] : memref<10112x128xf32, #tpu.memory_space<vmem_shared>> -> memref<128x128xf32, #tpu.memory_space<vmem_shared>>
      tpu.enqueue_dma source(%arg4 : memref<128x128xf32, #tpu.memory_space<hbm>>) target(%dma_start3A_50 : memref<128x128xf32, #tpu.memory_space<vmem_shared>>) target_semaphore(%run_scoped3A : memref<!tpu.dma_semaphore, #tpu.memory_space<semaphore_mem>>)
      %dma_wait3A_51 = arith.constant 0 : i32
      %dma_wait3A_52 = tpu.memref_slice %arg6[%add3A_10, %dma_wait3A_51] : memref<10112x128xf32, #tpu.memory_space<vmem_shared>> -> memref<128x128xf32, #tpu.memory_space<vmem_shared>>
      tpu.wait_dma2 semaphore(%run_scoped3A : memref<!tpu.dma_semaphore, #tpu.memory_space<semaphore_mem>>) src(%arg4 : memref<128x128xf32, #tpu.memory_space<hbm>>) dst(%dma_wait3A_52 : memref<128x128xf32, #tpu.memory_space<vmem_shared>>)
      tpu.yield
    }) : () -> ()
    %add3A_11 = arith.constant 512 : i32
    %add3A_12 = arith.addi %mul3A_2, %add3A_11 : i32
    "tpu.region"() ({
      %run_scoped3A = tpu.sem_alloc : memref<!tpu.dma_semaphore, #tpu.memory_space<semaphore_mem>>
      %dma_start3A = arith.constant 0 : i32
      %dma_start3A_50 = tpu.memref_slice %arg6[%add3A_12, %dma_start3A] : memref<10112x128xf32, #tpu.memory_space<vmem_shared>> -> memref<120x128xf32, #tpu.memory_space<vmem_shared>>
      %dma_start3A_51 = arith.constant 0 : i32
      %dma_start3A_52 = arith.constant 0 : i32
      %dma_start3A_53 = tpu.memref_slice %arg4[%dma_start3A_51, %dma_start3A_52] : memref<128x128xf32, #tpu.memory_space<hbm>> -> memref<120x128xf32, #tpu.memory_space<hbm>>
      tpu.enqueue_dma source(%dma_start3A_53 : memref<120x128xf32, #tpu.memory_space<hbm>>) target(%dma_start3A_50 : memref<120x128xf32, #tpu.memory_space<vmem_shared>>) target_semaphore(%run_scoped3A : memref<!tpu.dma_semaphore, #tpu.memory_space<semaphore_mem>>)
      %dma_wait3A_54 = arith.constant 0 : i32
      %dma_wait3A_55 = tpu.memref_slice %arg6[%add3A_12, %dma_wait3A_54] : memref<10112x128xf32, #tpu.memory_space<vmem_shared>> -> memref<120x128xf32, #tpu.memory_space<vmem_shared>>
      %dma_wait3A_56 = arith.constant 0 : i32
      %dma_wait3A_57 = arith.constant 0 : i32
      %dma_wait3A_58 = tpu.memref_slice %arg4[%dma_wait3A_56, %dma_wait3A_57] : memref<128x128xf32, #tpu.memory_space<hbm>> -> memref<120x128xf32, #tpu.memory_space<hbm>>
      tpu.wait_dma2 semaphore(%run_scoped3A : memref<!tpu.dma_semaphore, #tpu.memory_space<semaphore_mem>>) src(%dma_wait3A_58 : memref<120x128xf32, #tpu.memory_space<hbm>>) dst(%dma_wait3A_55 : memref<120x128xf32, #tpu.memory_space<vmem_shared>>)
      tpu.yield
    }) : () -> ()
    "tpu.region"() ({
      %run_scoped3A = tpu.sem_alloc : memref<!tpu.dma_semaphore, #tpu.memory_space<semaphore_mem>>
      tpu.enqueue_dma source(%arg3 : memref<128x128xf32, #tpu.memory_space<hbm>>) target(%arg8 : memref<128x128xf32, #tpu.memory_space<vmem>>) target_semaphore(%run_scoped3A : memref<!tpu.dma_semaphore, #tpu.memory_space<semaphore_mem>>)
      tpu.wait_dma2 semaphore(%run_scoped3A : memref<!tpu.dma_semaphore, #tpu.memory_space<semaphore_mem>>) src(%arg3 : memref<128x128xf32, #tpu.memory_space<hbm>>) dst(%arg8 : memref<128x128xf32, #tpu.memory_space<vmem>>)
      tpu.yield
    }) : () -> ()
    "tpu.region"() ({
      %run_scoped3A = tpu.sem_alloc : memref<!tpu.dma_semaphore, #tpu.memory_space<semaphore_mem>>
      %dma_start3A = arith.constant 0 : i32
      %dma_start3A_50 = arith.constant 0 : i32
      %dma_start3A_51 = tpu.memref_slice %arg2[%add3A, %dma_start3A, %dma_start3A_50] : memref<32x80x128xi32, #tpu.memory_space<hbm>> -> memref<1x80x128xi32, #tpu.memory_space<hbm>>
      %dma_start3A_52 = tpu.memref_squeeze %dma_start3A_51 : memref<1x80x128xi32, #tpu.memory_space<hbm>> -> memref<80x128xi32, #tpu.memory_space<hbm>>
      %dma_start3A_53 = arith.constant 0 : i32
      %dma_start3A_54 = arith.constant 0 : i32
      %dma_start3A_55 = tpu.memref_slice %arg2[%add3A, %dma_start3A_53, %dma_start3A_54] : memref<32x80x128xi32, #tpu.memory_space<hbm>> -> memref<1x80x128xi32, #tpu.memory_space<hbm>>
      %dma_start3A_56 = tpu.memref_squeeze %dma_start3A_55 : memref<1x80x128xi32, #tpu.memory_space<hbm>> -> memref<80x128xi32, #tpu.memory_space<hbm>>
      tpu.enqueue_dma source(%dma_start3A_56 : memref<80x128xi32, #tpu.memory_space<hbm>>) target(%arg7 : memref<80x128xi32, #tpu.memory_space<vmem>>) target_semaphore(%run_scoped3A : memref<!tpu.dma_semaphore, #tpu.memory_space<semaphore_mem>>)
      %dma_wait3A_57 = arith.constant 0 : i32
      %dma_wait3A_58 = arith.constant 0 : i32
      %dma_wait3A_59 = tpu.memref_slice %arg2[%add3A, %dma_wait3A_57, %dma_wait3A_58] : memref<32x80x128xi32, #tpu.memory_space<hbm>> -> memref<1x80x128xi32, #tpu.memory_space<hbm>>
      %dma_wait3A_60 = tpu.memref_squeeze %dma_wait3A_59 : memref<1x80x128xi32, #tpu.memory_space<hbm>> -> memref<80x128xi32, #tpu.memory_space<hbm>>
      %dma_wait3A_61 = arith.constant 0 : i32
      %dma_wait3A_62 = arith.constant 0 : i32
      %dma_wait3A_63 = tpu.memref_slice %arg2[%add3A, %dma_wait3A_61, %dma_wait3A_62] : memref<32x80x128xi32, #tpu.memory_space<hbm>> -> memref<1x80x128xi32, #tpu.memory_space<hbm>>
      %dma_wait3A_64 = tpu.memref_squeeze %dma_wait3A_63 : memref<1x80x128xi32, #tpu.memory_space<hbm>> -> memref<80x128xi32, #tpu.memory_space<hbm>>
      tpu.wait_dma2 semaphore(%run_scoped3A : memref<!tpu.dma_semaphore, #tpu.memory_space<semaphore_mem>>) src(%dma_wait3A_64 : memref<80x128xi32, #tpu.memory_space<hbm>>) dst(%arg7 : memref<80x128xi32, #tpu.memory_space<vmem>>)
      tpu.yield
    }) : () -> ()
    %barrier3A = arith.constant 0 : index
    tpu.barrier barrier_id(%barrier3A)
    %scan3A = arith.constant 0 : i32
    %scan3A_13 = arith.constant 0 : i32
    %scan3A_14 = arith.constant 80 : i32
    %scan3A_15 = arith.addi %scan3A_13, %scan3A_14 : i32
    %scan3A_16 = arith.constant 1 : i32
    scf.for %scan3A_50 = %scan3A_13 to %scan3A_15 step %scan3A_16  : i32 {
      %dma_start3A = arith.constant 0 : i32
      %dma_start3A_51 = tpu.memref_slice %arg7[%scan3A_50, %dma_start3A] : memref<80x128xi32, #tpu.memory_space<vmem>> -> memref<1x128xi32, #tpu.memory_space<vmem>>
      %dma_start3A_52 = tpu.memref_squeeze %dma_start3A_51 : memref<1x128xi32, #tpu.memory_space<vmem>> -> memref<128xi32, #tpu.memory_space<vmem>>
      %dma_start3A_53 = arith.constant 0 : i32
      %dma_start3A_54 = arith.constant 0 : i32
      %dma_start3A_55 = tpu.memref_slice %arg6[%dma_start3A_53, %dma_start3A_54] : memref<10112x128xf32, #tpu.memory_space<vmem_shared>> -> memref<10112x128xf32, #tpu.memory_space<vmem_shared>>
      tpu.enqueue_indirect_dma source(%arg8 : memref<128x128xf32, #tpu.memory_space<vmem>>) target(%dma_start3A_55 : memref<10112x128xf32, #tpu.memory_space<vmem_shared>>) offsets(%dma_start3A_52 : memref<128xi32, #tpu.memory_space<vmem>>) semaphore(%arg9 : memref<!tpu.dma_semaphore, #tpu.memory_space<semaphore_mem>>) {add = true}
      %ge3A = arith.constant 4 : i32
      %ge3A_56 = arith.cmpi sge, %scan3A_50, %ge3A : i32
      %convert_element_type3A = arith.extui %ge3A_56 : i1 to i32
      %cond3A = arith.constant 0 : i32
      %cond3A_57 = arith.cmpi ne, %convert_element_type3A, %cond3A : i32
      scf.if %cond3A_57 {
        %dma_wait3A_58 = arith.constant 0 : i32
        %dma_wait3A_59 = arith.constant 0 : i32
        %dma_wait3A_60 = tpu.memref_slice %arg7[%dma_wait3A_58, %dma_wait3A_59] : memref<80x128xi32, #tpu.memory_space<vmem>> -> memref<1x128xi32, #tpu.memory_space<vmem>>
        %dma_wait3A_61 = tpu.memref_squeeze %dma_wait3A_60 : memref<1x128xi32, #tpu.memory_space<vmem>> -> memref<128xi32, #tpu.memory_space<vmem>>
        %dma_wait3A_62 = arith.constant 0 : i32
        %dma_wait3A_63 = arith.constant 0 : i32
        %dma_wait3A_64 = tpu.memref_slice %arg6[%dma_wait3A_62, %dma_wait3A_63] : memref<10112x128xf32, #tpu.memory_space<vmem_shared>> -> memref<10112x128xf32, #tpu.memory_space<vmem_shared>>
        tpu.wait_indirect_dma semaphore(%arg9 : memref<!tpu.dma_semaphore, #tpu.memory_space<semaphore_mem>>) src(%arg8 : memref<128x128xf32, #tpu.memory_space<vmem>>) dst(%dma_wait3A_64 : memref<10112x128xf32, #tpu.memory_space<vmem_shared>>)
      } else {
      }
    }
    %scan3A_17 = arith.constant 80 : i32
    %dma_wait3A = arith.constant 0 : i32
    %dma_wait3A_18 = arith.constant 0 : i32
    %dma_wait3A_19 = tpu.memref_slice %arg7[%dma_wait3A, %dma_wait3A_18] : memref<80x128xi32, #tpu.memory_space<vmem>> -> memref<1x128xi32, #tpu.memory_space<vmem>>
    %dma_wait3A_20 = tpu.memref_squeeze %dma_wait3A_19 : memref<1x128xi32, #tpu.memory_space<vmem>> -> memref<128xi32, #tpu.memory_space<vmem>>
    %dma_wait3A_21 = arith.constant 0 : i32
    %dma_wait3A_22 = arith.constant 0 : i32
    %dma_wait3A_23 = tpu.memref_slice %arg6[%dma_wait3A_21, %dma_wait3A_22] : memref<10112x128xf32, #tpu.memory_space<vmem_shared>> -> memref<10112x128xf32, #tpu.memory_space<vmem_shared>>
    tpu.wait_indirect_dma semaphore(%arg9 : memref<!tpu.dma_semaphore, #tpu.memory_space<semaphore_mem>>) src(%arg8 : memref<128x128xf32, #tpu.memory_space<vmem>>) dst(%dma_wait3A_23 : memref<10112x128xf32, #tpu.memory_space<vmem_shared>>)
    %dma_wait3A_24 = arith.constant 0 : i32
    %dma_wait3A_25 = arith.constant 0 : i32
    %dma_wait3A_26 = tpu.memref_slice %arg7[%dma_wait3A_24, %dma_wait3A_25] : memref<80x128xi32, #tpu.memory_space<vmem>> -> memref<1x128xi32, #tpu.memory_space<vmem>>
    %dma_wait3A_27 = tpu.memref_squeeze %dma_wait3A_26 : memref<1x128xi32, #tpu.memory_space<vmem>> -> memref<128xi32, #tpu.memory_space<vmem>>
    %dma_wait3A_28 = arith.constant 0 : i32
    %dma_wait3A_29 = arith.constant 0 : i32
    %dma_wait3A_30 = tpu.memref_slice %arg6[%dma_wait3A_28, %dma_wait3A_29] : memref<10112x128xf32, #tpu.memory_space<vmem_shared>> -> memref<10112x128xf32, #tpu.memory_space<vmem_shared>>
    tpu.wait_indirect_dma semaphore(%arg9 : memref<!tpu.dma_semaphore, #tpu.memory_space<semaphore_mem>>) src(%arg8 : memref<128x128xf32, #tpu.memory_space<vmem>>) dst(%dma_wait3A_30 : memref<10112x128xf32, #tpu.memory_space<vmem_shared>>)
    %dma_wait3A_31 = arith.constant 0 : i32
    %dma_wait3A_32 = arith.constant 0 : i32
    %dma_wait3A_33 = tpu.memref_slice %arg7[%dma_wait3A_31, %dma_wait3A_32] : memref<80x128xi32, #tpu.memory_space<vmem>> -> memref<1x128xi32, #tpu.memory_space<vmem>>
    %dma_wait3A_34 = tpu.memref_squeeze %dma_wait3A_33 : memref<1x128xi32, #tpu.memory_space<vmem>> -> memref<128xi32, #tpu.memory_space<vmem>>
    %dma_wait3A_35 = arith.constant 0 : i32
    %dma_wait3A_36 = arith.constant 0 : i32
    %dma_wait3A_37 = tpu.memref_slice %arg6[%dma_wait3A_35, %dma_wait3A_36] : memref<10112x128xf32, #tpu.memory_space<vmem_shared>> -> memref<10112x128xf32, #tpu.memory_space<vmem_shared>>
    tpu.wait_indirect_dma semaphore(%arg9 : memref<!tpu.dma_semaphore, #tpu.memory_space<semaphore_mem>>) src(%arg8 : memref<128x128xf32, #tpu.memory_space<vmem>>) dst(%dma_wait3A_37 : memref<10112x128xf32, #tpu.memory_space<vmem_shared>>)
    %dma_wait3A_38 = arith.constant 0 : i32
    %dma_wait3A_39 = arith.constant 0 : i32
    %dma_wait3A_40 = tpu.memref_slice %arg7[%dma_wait3A_38, %dma_wait3A_39] : memref<80x128xi32, #tpu.memory_space<vmem>> -> memref<1x128xi32, #tpu.memory_space<vmem>>
    %dma_wait3A_41 = tpu.memref_squeeze %dma_wait3A_40 : memref<1x128xi32, #tpu.memory_space<vmem>> -> memref<128xi32, #tpu.memory_space<vmem>>
    %dma_wait3A_42 = arith.constant 0 : i32
    %dma_wait3A_43 = arith.constant 0 : i32
    %dma_wait3A_44 = tpu.memref_slice %arg6[%dma_wait3A_42, %dma_wait3A_43] : memref<10112x128xf32, #tpu.memory_space<vmem_shared>> -> memref<10112x128xf32, #tpu.memory_space<vmem_shared>>
    tpu.wait_indirect_dma semaphore(%arg9 : memref<!tpu.dma_semaphore, #tpu.memory_space<semaphore_mem>>) src(%arg8 : memref<128x128xf32, #tpu.memory_space<vmem>>) dst(%dma_wait3A_44 : memref<10112x128xf32, #tpu.memory_space<vmem_shared>>)
    %barrier3A_45 = arith.constant 0 : index
    tpu.barrier barrier_id(%barrier3A_45)
    %mul3A_46 = arith.constant 632 : i32
    %mul3A_47 = arith.muli %arg1, %mul3A_46 : i32
    %mul3A_48 = arith.constant 632 : i32
    %mul3A_49 = arith.muli %arg1, %mul3A_48 : i32
    "tpu.region"() ({
      %run_scoped3A = tpu.sem_alloc : memref<!tpu.dma_semaphore, #tpu.memory_space<semaphore_mem>>
      %dma_start3A = arith.constant 0 : i32
      %dma_start3A_50 = tpu.memref_slice %arg5[%arg0, %mul3A_49, %dma_start3A] : memref<2x10112x128xf32, #tpu.memory_space<hbm>> -> memref<1x632x128xf32, #tpu.memory_space<hbm>>
      %dma_start3A_51 = tpu.memref_squeeze %dma_start3A_50 : memref<1x632x128xf32, #tpu.memory_space<hbm>> -> memref<632x128xf32, #tpu.memory_space<hbm>>
      %dma_start3A_52 = arith.constant 0 : i32
      %dma_start3A_53 = tpu.memref_slice %arg6[%mul3A_47, %dma_start3A_52] : memref<10112x128xf32, #tpu.memory_space<vmem_shared>> -> memref<632x128xf32, #tpu.memory_space<vmem_shared>>
      tpu.enqueue_dma source(%dma_start3A_53 : memref<632x128xf32, #tpu.memory_space<vmem_shared>>) target(%dma_start3A_51 : memref<632x128xf32, #tpu.memory_space<hbm>>) target_semaphore(%run_scoped3A : memref<!tpu.dma_semaphore, #tpu.memory_space<semaphore_mem>>)
      %dma_wait3A_54 = arith.constant 0 : i32
      %dma_wait3A_55 = tpu.memref_slice %arg5[%arg0, %mul3A_49, %dma_wait3A_54] : memref<2x10112x128xf32, #tpu.memory_space<hbm>> -> memref<1x632x128xf32, #tpu.memory_space<hbm>>
      %dma_wait3A_56 = tpu.memref_squeeze %dma_wait3A_55 : memref<1x632x128xf32, #tpu.memory_space<hbm>> -> memref<632x128xf32, #tpu.memory_space<hbm>>
      %dma_wait3A_57 = arith.constant 0 : i32
      %dma_wait3A_58 = tpu.memref_slice %arg6[%mul3A_47, %dma_wait3A_57] : memref<10112x128xf32, #tpu.memory_space<vmem_shared>> -> memref<632x128xf32, #tpu.memory_space<vmem_shared>>
      tpu.wait_dma2 semaphore(%run_scoped3A : memref<!tpu.dma_semaphore, #tpu.memory_space<semaphore_mem>>) src(%dma_wait3A_58 : memref<632x128xf32, #tpu.memory_space<vmem_shared>>) dst(%dma_wait3A_56 : memref<632x128xf32, #tpu.memory_space<hbm>>)
      tpu.yield
    }) : () -> ()
    return
  }
}

module attributes {stable_mosaic.version = 14 : i64} {
  func.func @_embed_body(%arg0: i32, %arg1: memref<128x128xf32, #tpu.memory_space<vmem>>, %arg2: memref<128x128xf32, #tpu.memory_space<vmem>>, %arg3: memref<128x128xf32, #tpu.memory_space<vmem>>, %arg4: memref<1x128xf32, #tpu.memory_space<vmem>>, %arg5: memref<2x128x128xf32, #tpu.memory_space<vmem>>, %arg6: memref<128x128xf32, #tpu.memory_space<vmem>>, %arg7: memref<128x128xf32, #tpu.memory_space<vmem>>) attributes {dimension_semantics = [#tpu.dimension_semantics<arbitrary>], iteration_bounds = array<i64: 79>, scalar_prefetch = 0 : i64, scratch_operands = 0 : i64, tpu.core_type = #tpu.core_type<tc>, window_params = [{transform_indices = @transform_0, window_bounds = array<i64: 128, 128>}, {pipeline_mode = #tpu.pipeline_mode<synchronous>, transform_indices = @transform_1, window_bounds = array<i64: 128, 128>}, {pipeline_mode = #tpu.pipeline_mode<synchronous>, transform_indices = @transform_2, window_bounds = array<i64: 128, 128>}, {pipeline_mode = #tpu.pipeline_mode<synchronous>, transform_indices = @transform_3, window_bounds = array<i64: 1, 128>}, {transform_indices = @transform_4, window_bounds = array<i64: 2, 128, 128>}, {transform_indices = @transform_5, window_bounds = array<i64: 128, 128>}, {transform_indices = @transform_6, window_bounds = array<i64: 128, 128>}]} {
    %get3A = arith.constant 0 : index
    %get3A_0 = arith.constant 0 : index
    %get3A_1 = vector.load %arg2[%get3A, %get3A_0] : memref<128x128xf32, #tpu.memory_space<vmem>>, vector<128x128xf32>
    %get3A_2 = arith.constant 0 : index
    %get3A_3 = arith.constant 0 : index
    %get3A_4 = vector.load %arg3[%get3A_2, %get3A_3] : memref<128x128xf32, #tpu.memory_space<vmem>>, vector<128x128xf32>
    %dot_general3A = arith.constant dense<0.000000e+00> : vector<128x128xf32>
    %dot_general3A_5 = tpu.matmul %get3A_1, %get3A_4, %dot_general3A {dimension_numbers = #tpu.dot_dimension_numbers<[1], [0], [0], [1], [0, 0, 1, 1], [], []>, transpose_lhs_hint = false} : vector<128x128xf32>, vector<128x128xf32>, vector<128x128xf32> -> vector<128x128xf32>
    %get3A_6 = arith.constant 0 : index
    %get3A_7 = arith.constant 0 : index
    %get3A_8 = vector.load %arg4[%get3A_6, %get3A_7] : memref<1x128xf32, #tpu.memory_space<vmem>>, vector<1x128xf32>
    %get3A_9 = arith.constant 0 : index
    %get3A_10 = arith.constant 0 : index
    %get3A_11 = vector.load %arg3[%get3A_9, %get3A_10] : memref<128x128xf32, #tpu.memory_space<vmem>>, vector<128x128xf32>
    %dot_general3A_12 = arith.constant dense<0.000000e+00> : vector<1x128xf32>
    %dot_general3A_13 = tpu.matmul %get3A_8, %get3A_11, %dot_general3A_12 {dimension_numbers = #tpu.dot_dimension_numbers<[1], [0], [0], [1], [0, 0, 1, 1], [], []>, transpose_lhs_hint = false} : vector<1x128xf32>, vector<128x128xf32>, vector<1x128xf32> -> vector<1x128xf32>
    %get3A_14 = arith.constant 0 : index
    %get3A_15 = arith.constant 0 : index
    %get3A_16 = vector.load %arg1[%get3A_14, %get3A_15] : memref<128x128xf32, #tpu.memory_space<vmem>>, vector<128x128xf32>
    %dot_general3A_17 = arith.constant dense<0.000000e+00> : vector<128x128xf32>
    %dot_general3A_18 = tpu.matmul %get3A_16, %dot_general3A_5, %dot_general3A_17 {dimension_numbers = #tpu.dot_dimension_numbers<[1], [0], [0], [1], [0, 0, 1, 1], [], []>, transpose_lhs_hint = false} : vector<128x128xf32>, vector<128x128xf32>, vector<128x128xf32> -> vector<128x128xf32>
    %add3A = vector.broadcast %dot_general3A_13 : vector<1x128xf32> to vector<128x128xf32>
    %add3A_19 = arith.addf %dot_general3A_18, %add3A : vector<128x128xf32>
    %get3A_20 = arith.constant 0 : index
    %get3A_21 = arith.constant 0 : index
    %get3A_22 = arith.constant 0 : index
    %get3A_23 = vector.load %arg5[%get3A_20, %get3A_21, %get3A_22] : memref<2x128x128xf32, #tpu.memory_space<vmem>>, vector<1x128x128xf32>
    %get3A_24 = vector.shape_cast %get3A_23 : vector<1x128x128xf32> to vector<128x128xf32>
    %get3A_25 = arith.constant 1 : index
    %get3A_26 = arith.constant 0 : index
    %get3A_27 = arith.constant 0 : index
    %get3A_28 = vector.load %arg5[%get3A_25, %get3A_26, %get3A_27] : memref<2x128x128xf32, #tpu.memory_space<vmem>>, vector<1x128x128xf32>
    %get3A_29 = vector.shape_cast %get3A_28 : vector<1x128x128xf32> to vector<128x128xf32>
    %add3A_30 = arith.addf %get3A_24, %get3A_29 : vector<128x128xf32>
    %reduce_sum3A = arith.constant dense<0.000000e+00> : vector<128xf32>
    %reduce_sum3A_31 = vector.multi_reduction <add>, %add3A_30, %reduce_sum3A [1] : vector<128x128xf32> to vector<128xf32>
    %broadcast_in_dim3A = vector.shape_cast %reduce_sum3A_31 : vector<128xf32> to vector<128x1xf32>
    %add3A_32 = arith.constant 1.000000e+00 : f32
    %add3A_33 = vector.broadcast %add3A_32 : f32 to vector<128x1xf32>
    %add3A_34 = arith.addf %broadcast_in_dim3A, %add3A_33 : vector<128x1xf32>
    %rsqrt3A = math.rsqrt %add3A_34 : vector<128x1xf32>
    %broadcast_in_dim3A_35 = vector.shape_cast %rsqrt3A : vector<128x1xf32> to vector<128x1xf32>
    %broadcast_in_dim3A_36 = vector.broadcast %broadcast_in_dim3A_35 : vector<128x1xf32> to vector<128x128xf32>
    %mul3A = arith.mulf %add3A_19, %broadcast_in_dim3A_36 : vector<128x128xf32>
    %swap3A = arith.constant 0 : index
    %swap3A_37 = arith.constant 0 : index
    %swap3A_38 = vector.load %arg6[%swap3A, %swap3A_37] : memref<128x128xf32, #tpu.memory_space<vmem>>, vector<128x128xf32>
    tpu.vector_store %arg6[%swap3A, %swap3A_37], %mul3A {strides = array<i32>} : memref<128x128xf32, #tpu.memory_space<vmem>>, vector<128x128xf32>,
    %swap3A_39 = arith.constant 0 : index
    %swap3A_40 = arith.constant 0 : index
    %swap3A_41 = vector.load %arg7[%swap3A_39, %swap3A_40] : memref<128x128xf32, #tpu.memory_space<vmem>>, vector<128x128xf32>
    tpu.vector_store %arg7[%swap3A_39, %swap3A_40], %broadcast_in_dim3A_36 {strides = array<i32>} : memref<128x128xf32, #tpu.memory_space<vmem>>, vector<128x128xf32>,
    return
  }
  func.func @transform_0(%arg0: i32) -> (i32, i32) {
    %c0_i32 = arith.constant 0 : i32
    %c0_i32_0 = arith.constant 0 : i32
    return %arg0, %c0_i32 : i32, i32
  }
  func.func @transform_1(%arg0: i32) -> (i32, i32) {
    %c0_i32 = arith.constant 0 : i32
    %c0_i32_0 = arith.constant 0 : i32
    %c0_i32_1 = arith.constant 0 : i32
    return %c0_i32, %c0_i32_0 : i32, i32
  }
  func.func @transform_2(%arg0: i32) -> (i32, i32) {
    %c0_i32 = arith.constant 0 : i32
    %c0_i32_0 = arith.constant 0 : i32
    %c0_i32_1 = arith.constant 0 : i32
    return %c0_i32, %c0_i32_0 : i32, i32
  }
  func.func @transform_3(%arg0: i32) -> (i32, i32) {
    %c0_i32 = arith.constant 0 : i32
    %c0_i32_0 = arith.constant 0 : i32
    %c0_i32_1 = arith.constant 0 : i32
    return %c0_i32, %c0_i32_0 : i32, i32
  }
  func.func @transform_4(%arg0: i32) -> (i32, i32, i32) {
    %c0_i32 = arith.constant 0 : i32
    %c0_i32_0 = arith.constant 0 : i32
    %c0_i32_1 = arith.constant 0 : i32
    return %c0_i32, %arg0, %c0_i32_0 : i32, i32, i32
  }
  func.func @transform_5(%arg0: i32) -> (i32, i32) {
    %c0_i32 = arith.constant 0 : i32
    %c0_i32_0 = arith.constant 0 : i32
    return %arg0, %c0_i32 : i32, i32
  }
  func.func @transform_6(%arg0: i32) -> (i32, i32) {
    %c0_i32 = arith.constant 0 : i32
    %c0_i32_0 = arith.constant 0 : i32
    return %arg0, %c0_i32 : i32, i32
  }
}

module attributes {stable_mosaic.version = 14 : i64} {
  func.func @_final_body(%arg0: i32, %arg1: memref<2x128x128xf32, #tpu.memory_space<vmem>>, %arg2: memref<128x128xf32, #tpu.memory_space<vmem>>, %arg3: memref<128x128xf32, #tpu.memory_space<vmem>>, %arg4: memref<1x1x128xi32, #tpu.memory_space<vmem>>, %arg5: memref<1x128xf32, #tpu.memory_space<vmem>>, %arg6: memref<128x128xf32, #tpu.memory_space<vmem>>, %arg7: memref<1x128xf32, #tpu.memory_space<vmem>>, %arg8: memref<16x128xf32, #tpu.memory_space<vmem>>, %arg9: memref<16x128xf32, #tpu.memory_space<vmem>>, %arg10: memref<16x1xf32, #tpu.memory_space<vmem>>) attributes {dimension_semantics = [#tpu.dimension_semantics<arbitrary>], iteration_bounds = array<i64: 79>, scalar_prefetch = 0 : i64, scratch_operands = 2 : i64, tpu.core_type = #tpu.core_type<tc>, window_params = [{transform_indices = @transform_0, window_bounds = array<i64: 2, 128, 128>}, {transform_indices = @transform_1, window_bounds = array<i64: 128, 128>}, {transform_indices = @transform_2, window_bounds = array<i64: 128, 128>}, {transform_indices = @transform_3, window_bounds = array<i64: 1, 1, 128>}, {pipeline_mode = #tpu.pipeline_mode<synchronous>, transform_indices = @transform_4, window_bounds = array<i64: 1, 128>}, {pipeline_mode = #tpu.pipeline_mode<synchronous>, transform_indices = @transform_5, window_bounds = array<i64: 128, 128>}, {pipeline_mode = #tpu.pipeline_mode<synchronous>, transform_indices = @transform_6, window_bounds = array<i64: 1, 128>}, {pipeline_mode = #tpu.pipeline_mode<synchronous>, transform_indices = @transform_7, window_bounds = array<i64: 16, 128>}]} {
    %eq3A = arith.constant 0 : i32
    %eq3A_0 = arith.cmpi eq, %arg0, %eq3A : i32
    %convert_element_type3A = arith.extui %eq3A_0 : i1 to i32
    %cond3A = arith.constant 0 : i32
    %cond3A_1 = arith.cmpi ne, %convert_element_type3A, %cond3A : i32
    scf.if %cond3A_1 {
      %broadcast_in_dim3A_54 = arith.constant 0.000000e+00 : f32
      %broadcast_in_dim3A_55 = vector.broadcast %broadcast_in_dim3A_54 : f32 to vector<16x128xf32>
      %swap3A_56 = arith.constant 0 : index
      %swap3A_57 = arith.constant 0 : index
      %swap3A_58 = vector.load %arg9[%swap3A_56, %swap3A_57] : memref<16x128xf32, #tpu.memory_space<vmem>>, vector<16x128xf32>
      tpu.vector_store %arg9[%swap3A_56, %swap3A_57], %broadcast_in_dim3A_55 {strides = array<i32>} : memref<16x128xf32, #tpu.memory_space<vmem>>, vector<16x128xf32>,
      %broadcast_in_dim3A_59 = arith.constant 0.000000e+00 : f32
      %broadcast_in_dim3A_60 = vector.broadcast %broadcast_in_dim3A_59 : f32 to vector<16x1xf32>
      %swap3A_61 = arith.constant 0 : index
      %swap3A_62 = arith.constant 0 : index
      %swap3A_63 = vector.load %arg10[%swap3A_61, %swap3A_62] : memref<16x1xf32, #tpu.memory_space<vmem>>, vector<16x1xf32>
      tpu.vector_store %arg10[%swap3A_61, %swap3A_62], %broadcast_in_dim3A_60 {strides = array<i32>} : memref<16x1xf32, #tpu.memory_space<vmem>>, vector<16x1xf32>,
    } else {
    }
    %get3A = arith.constant 0 : index
    %get3A_2 = arith.constant 0 : index
    %get3A_3 = arith.constant 0 : index
    %get3A_4 = vector.load %arg1[%get3A, %get3A_2, %get3A_3] : memref<2x128x128xf32, #tpu.memory_space<vmem>>, vector<1x128x128xf32>
    %get3A_5 = vector.shape_cast %get3A_4 : vector<1x128x128xf32> to vector<128x128xf32>
    %get3A_6 = arith.constant 1 : index
    %get3A_7 = arith.constant 0 : index
    %get3A_8 = arith.constant 0 : index
    %get3A_9 = vector.load %arg1[%get3A_6, %get3A_7, %get3A_8] : memref<2x128x128xf32, #tpu.memory_space<vmem>>, vector<1x128x128xf32>
    %get3A_10 = vector.shape_cast %get3A_9 : vector<1x128x128xf32> to vector<128x128xf32>
    %add3A = arith.addf %get3A_5, %get3A_10 : vector<128x128xf32>
    %get3A_11 = arith.constant 0 : index
    %get3A_12 = arith.constant 0 : index
    %get3A_13 = vector.load %arg2[%get3A_11, %get3A_12] : memref<128x128xf32, #tpu.memory_space<vmem>>, vector<128x128xf32>
    %add3A_14 = arith.addf %add3A, %get3A_13 : vector<128x128xf32>
    %get3A_15 = arith.constant 0 : index
    %get3A_16 = arith.constant 0 : index
    %get3A_17 = vector.load %arg3[%get3A_15, %get3A_16] : memref<128x128xf32, #tpu.memory_space<vmem>>, vector<128x128xf32>
    %mul3A = arith.mulf %add3A_14, %get3A_17 : vector<128x128xf32>
    %get3A_18 = arith.constant 0 : index
    %get3A_19 = arith.constant 0 : index
    %get3A_20 = vector.load %arg5[%get3A_18, %get3A_19] : memref<1x128xf32, #tpu.memory_space<vmem>>, vector<1x128xf32>
    %add3A_21 = vector.broadcast %get3A_20 : vector<1x128xf32> to vector<128x128xf32>
    %add3A_22 = arith.addf %mul3A, %add3A_21 : vector<128x128xf32>
    %max3A = arith.constant 0.000000e+00 : f32
    %max3A_23 = vector.broadcast %max3A : f32 to vector<128x128xf32>
    %max3A_24 = arith.maximumf %add3A_22, %max3A_23 : vector<128x128xf32>
    %get3A_25 = arith.constant 0 : index
    %get3A_26 = arith.constant 0 : index
    %get3A_27 = arith.constant 0 : index
    %get3A_28 = vector.load %arg4[%get3A_25, %get3A_26, %get3A_27] : memref<1x1x128xi32, #tpu.memory_space<vmem>>, vector<1x1x128xi32>
    %get3A_29 = vector.shape_cast %get3A_28 : vector<1x1x128xi32> to vector<1x128xi32>
    %iota3A = tpu.iota {dimensions = array<i32: 0>} : vector<16x128xi32>
    %eq3A_30 = vector.broadcast %get3A_29 : vector<1x128xi32> to vector<16x128xi32>
    %eq3A_31 = arith.cmpi eq, %iota3A, %eq3A_30 : vector<16x128xi32>
    %convert_element_type3A_32 = arith.extui %eq3A_31 : vector<16x128xi1> to vector<16x128xi32>
    %convert_element_type3A_33 = arith.sitofp %convert_element_type3A_32 : vector<16x128xi32> to vector<16x128xf32>
    %get3A_34 = arith.constant 0 : index
    %get3A_35 = arith.constant 0 : index
    %get3A_36 = vector.load %arg9[%get3A_34, %get3A_35] : memref<16x128xf32, #tpu.memory_space<vmem>>, vector<16x128xf32>
    %dot_general3A = arith.constant dense<0.000000e+00> : vector<16x128xf32>
    %dot_general3A_37 = tpu.matmul %convert_element_type3A_33, %max3A_24, %dot_general3A {dimension_numbers = #tpu.dot_dimension_numbers<[1], [0], [0], [1], [0, 0, 1, 1], [], []>, transpose_lhs_hint = false} : vector<16x128xf32>, vector<128x128xf32>, vector<16x128xf32> -> vector<16x128xf32>
    %add3A_38 = arith.addf %get3A_36, %dot_general3A_37 : vector<16x128xf32>
    %swap3A = arith.constant 0 : index
    %swap3A_39 = arith.constant 0 : index
    %swap3A_40 = vector.load %arg9[%swap3A, %swap3A_39] : memref<16x128xf32, #tpu.memory_space<vmem>>, vector<16x128xf32>
    tpu.vector_store %arg9[%swap3A, %swap3A_39], %add3A_38 {strides = array<i32>} : memref<16x128xf32, #tpu.memory_space<vmem>>, vector<16x128xf32>,
    %get3A_41 = arith.constant 0 : index
    %get3A_42 = arith.constant 0 : index
    %get3A_43 = vector.load %arg10[%get3A_41, %get3A_42] : memref<16x1xf32, #tpu.memory_space<vmem>>, vector<16x1xf32>
    %reduce_sum3A = arith.constant dense<0.000000e+00> : vector<16xf32>
    %reduce_sum3A_44 = vector.multi_reduction <add>, %convert_element_type3A_33, %reduce_sum3A [1] : vector<16x128xf32> to vector<16xf32>
    %broadcast_in_dim3A = vector.shape_cast %reduce_sum3A_44 : vector<16xf32> to vector<16x1xf32>
    %add3A_45 = arith.addf %get3A_43, %broadcast_in_dim3A : vector<16x1xf32>
    %swap3A_46 = arith.constant 0 : index
    %swap3A_47 = arith.constant 0 : index
    %swap3A_48 = vector.load %arg10[%swap3A_46, %swap3A_47] : memref<16x1xf32, #tpu.memory_space<vmem>>, vector<16x1xf32>
    tpu.vector_store %arg10[%swap3A_46, %swap3A_47], %add3A_45 {strides = array<i32>} : memref<16x1xf32, #tpu.memory_space<vmem>>, vector<16x1xf32>,
    %eq3A_49 = arith.constant 78 : i32
    %eq3A_50 = arith.cmpi eq, %arg0, %eq3A_49 : i32
    %convert_element_type3A_51 = arith.extui %eq3A_50 : i1 to i32
    %cond3A_52 = arith.constant 0 : i32
    %cond3A_53 = arith.cmpi ne, %convert_element_type3A_51, %cond3A_52 : i32
    scf.if %cond3A_53 {
      %get3A_54 = arith.constant 0 : index
      %get3A_55 = arith.constant 0 : index
      %get3A_56 = vector.load %arg9[%get3A_54, %get3A_55] : memref<16x128xf32, #tpu.memory_space<vmem>>, vector<16x128xf32>
      %get3A_57 = arith.constant 0 : index
      %get3A_58 = arith.constant 0 : index
      %get3A_59 = vector.load %arg10[%get3A_57, %get3A_58] : memref<16x1xf32, #tpu.memory_space<vmem>>, vector<16x1xf32>
      %max3A_60 = arith.constant 1.000000e+00 : f32
      %max3A_61 = vector.broadcast %max3A_60 : f32 to vector<16x1xf32>
      %max3A_62 = arith.maximumf %get3A_59, %max3A_61 : vector<16x1xf32>
      %div3A = vector.broadcast %max3A_62 : vector<16x1xf32> to vector<16x128xf32>
      %div3A_63 = arith.divf %get3A_56, %div3A : vector<16x128xf32>
      %get3A_64 = arith.constant 0 : index
      %get3A_65 = arith.constant 0 : index
      %get3A_66 = vector.load %arg6[%get3A_64, %get3A_65] : memref<128x128xf32, #tpu.memory_space<vmem>>, vector<128x128xf32>
      %dot_general3A_67 = arith.constant dense<0.000000e+00> : vector<16x128xf32>
      %dot_general3A_68 = tpu.matmul %div3A_63, %get3A_66, %dot_general3A_67 {dimension_numbers = #tpu.dot_dimension_numbers<[1], [0], [0], [1], [0, 0, 1, 1], [], []>, transpose_lhs_hint = false} : vector<16x128xf32>, vector<128x128xf32>, vector<16x128xf32> -> vector<16x128xf32>
      %get3A_69 = arith.constant 0 : index
      %get3A_70 = arith.constant 0 : index
      %get3A_71 = vector.load %arg7[%get3A_69, %get3A_70] : memref<1x128xf32, #tpu.memory_space<vmem>>, vector<1x128xf32>
      %add3A_72 = vector.broadcast %get3A_71 : vector<1x128xf32> to vector<16x128xf32>
      %add3A_73 = arith.addf %dot_general3A_68, %add3A_72 : vector<16x128xf32>
      %swap3A_74 = arith.constant 0 : index
      %swap3A_75 = arith.constant 0 : index
      %swap3A_76 = vector.load %arg8[%swap3A_74, %swap3A_75] : memref<16x128xf32, #tpu.memory_space<vmem>>, vector<16x128xf32>
      tpu.vector_store %arg8[%swap3A_74, %swap3A_75], %add3A_73 {strides = array<i32>} : memref<16x128xf32, #tpu.memory_space<vmem>>, vector<16x128xf32>,
    } else {
    }
    return
  }
  func.func @transform_0(%arg0: i32) -> (i32, i32, i32) {
    %c0_i32 = arith.constant 0 : i32
    %c0_i32_0 = arith.constant 0 : i32
    %c0_i32_1 = arith.constant 0 : i32
    return %c0_i32, %arg0, %c0_i32_0 : i32, i32, i32
  }
  func.func @transform_1(%arg0: i32) -> (i32, i32) {
    %c0_i32 = arith.constant 0 : i32
    %c0_i32_0 = arith.constant 0 : i32
    return %arg0, %c0_i32 : i32, i32
  }
  func.func @transform_2(%arg0: i32) -> (i32, i32) {
    %c0_i32 = arith.constant 0 : i32
    %c0_i32_0 = arith.constant 0 : i32
    return %arg0, %c0_i32 : i32, i32
  }
  func.func @transform_3(%arg0: i32) -> (i32, i32, i32) {
    %c0_i32 = arith.constant 0 : i32
    %c0_i32_0 = arith.constant 0 : i32
    %c0_i32_1 = arith.constant 0 : i32
    return %arg0, %c0_i32, %c0_i32_0 : i32, i32, i32
  }
  func.func @transform_4(%arg0: i32) -> (i32, i32) {
    %c0_i32 = arith.constant 0 : i32
    %c0_i32_0 = arith.constant 0 : i32
    %c0_i32_1 = arith.constant 0 : i32
    return %c0_i32, %c0_i32_0 : i32, i32
  }
  func.func @transform_5(%arg0: i32) -> (i32, i32) {
    %c0_i32 = arith.constant 0 : i32
    %c0_i32_0 = arith.constant 0 : i32
    %c0_i32_1 = arith.constant 0 : i32
    return %c0_i32, %c0_i32_0 : i32, i32
  }
  func.func @transform_6(%arg0: i32) -> (i32, i32) {
    %c0_i32 = arith.constant 0 : i32
    %c0_i32_0 = arith.constant 0 : i32
    %c0_i32_1 = arith.constant 0 : i32
    return %c0_i32, %c0_i32_0 : i32, i32
  }
  func.func @transform_7(%arg0: i32) -> (i32, i32) {
    %c0_i32 = arith.constant 0 : i32
    %c0_i32_0 = arith.constant 0 : i32
    %c0_i32_1 = arith.constant 0 : i32
    return %c0_i32, %c0_i32_0 : i32, i32
  }
}

</mosaic_0001>

<sc_bundles>
// kernel: kernel.6.cloned.1.call-start
scs
__scs_entry_jumppad:
0x0: {  	(pc) =	sbr.rel $0x88, $3  }
0x1: {  	(tag) =	ssettag $0x0;
	lr =	simm.s32 $0x1  }
0x2: {  	[smem:$0x3F98] =	sst lr;
	_ =	strace $0xD0000000  }
0x3: {  	_ = 	snop  }
0x4: {  	_ = 	snop  }
0x5: {  	_ = 	snop  }
0x6: {  	_ = 	snop  }
0x7: {  	_ = 	snop  }
__scs_overlays_trampoline_lowered:
0x8: {  	[smem:$0x3FA7] =	sst s0  }
0x9: {  	[smem:$0x3FA8] =	sst s1  }
0xa: {  	[smem:$0x3FA9] =	sst s2  }
0xb: {  	[smem:$0x3FAA] =	sst s3  }
0xc: {  	[smem:$0x3FAB] =	sst s4  }
0xd: {  	[smem:$0x3FAC] =	sst s5  }
0xe: {  	[smem:$0x3FAD] =	sst s6  }
0xf: {  	[smem:$0x3FAE] =	sst s7  }
0x10: {  	[smem:$0x3FAF] =	sst s8  }
0x11: {  	[smem:$0x3FB0] =	sst s9;
	s0 =	simm.s32 @!p0 $0x0  }
0x12: {  	s1 =	sld [smem:$0x3F96];
	s0 =	simm.s32 @p0 $0x1  }
0x13: {  	[smem:$0x3FB1] =	sst s0;
	s0 =	simm.s32 @!p1 $0x0  }
0x14: {  	s2 =	sld [smem:$0x3F95];
	s0 =	simm.s32 @p1 $0x1  }
0x15: {  	[smem:$0x3FB2] =	sst s0;
	s0 =	simm.s32 @!p2 $0x0  }
0x16: {  	s3 =	sld [smem:$0x3FDB];
	s0 =	simm.s32 @p2 $0x1  }
0x17: {  	s4 =	simm.s32 $0x1BF5;
	[smem:$0x3FB4] =	sst s0  }
0x18: {  	s0 =	sld [smem:$0x3F97];
	_ =	swait.ge [sflag:s4], $0x0  }
0x19: {  	s7 =	sld [smem:$0x3F98]  }
0x1a: {  	s8 =	sadd.s32 $0xFFFFE003, lr  }
0x1b: {  	s9 =	sadd.s32 $0xFFFFFEF7, lr;
	s5 =	simm.s32 $0xFFFFFFFF;
	p2 =	slt.u32 s8, $0xFFFFF086  }
0x1c: {  	p1 =	slt.u32 s9, $0xF7A;
	s5 =	simm.s32 @!p2 $0x0  }
0x1d: {  	s5 =	simm.s32 @p1 $0x1;
	p0 =	seq.s32 s7, s2  }
0x1e: {  	s7 =	smul.u32 @!p0 $0xF7A, s2;
	p2 =	seq.s32 @!p0 s5, $0x0  }
0x1f: {  	s9 =	smul.u32 $0xF7A, s1;
	s8 =	simm.s32 @!p0 $0x1BF5;
	p2 =	por !p2, p0  }
0x20: {  	[sflag:s8] =	ssyncset.s32 @!p0 $0xFFFFF086;
	s6 =	sadd.s32 @!p0 s3, s7;
	s7 =	simm.s32 @!p0 $0x108  }
0x21: {  	s3 =	sadd.s32 s3, s9;
	s6 =	sadd.s32 @!p0 $0x88, s6;
	s7 =	simm.s32 @p2 $0x1082  }
0x22: {  	[simem:s7], [sflag:s8] =	dma.local @!p0 [hbm:s6], $0xF7A  }
0x23: {  	s9 =	sor.u32 $0xD0000000, s2;
	s6 =	simm.s32 $0x108;
	_ =	swait.ge @!p0 [sflag:s8], $0x0  }
0x24: {  	s3 =	sadd.s32 $0x88, s3;
	s6 =	simm.s32 @!p1 $0x1082;
	[sflag:s4] =	ssyncset.s32 $0xFFFFF086  }
0x25: {  	[simem:s6], [sflag:s4] =	dma.local [hbm:s3], $0xF7A  }
0x26: {  	[smem:$0x3F98] =	sst s1;
	(tag) =	ssettag s2;
	_ =	strace s9  }
0x27: {  	s1 =	sld [smem:$0x3FA8]  }
0x28: {  	s2 =	sld [smem:$0x3FA9]  }
0x29: {  	s4 =	sld [smem:$0x3FAB]  }
0x2a: {  	p0 =	seq.s32 s5, $0x0;
	s5 =	sld [smem:$0x3FAC]  }
0x2b: {  	s6 =	sld [smem:$0x3FAD]  }
0x2c: {  	s7 =	sld [smem:$0x3FAE]  }
0x2d: {  	s3 =	simm.s32 $0x108;
	s8 =	sld [smem:$0x3FAF]  }
0x2e: {  	s3 =	simm.s32 @!p0 $0x1082;
	s9 =	sld [smem:$0x3FB0]  }
0x2f: {  	lr =	sadd.s32 s0, s3;
	s0 =	sld [smem:$0x3FA7]  }
0x30: {  	s3 =	sld [smem:$0x3FAA]  }
0x31: {  	[smem:$0x3FB3] =	sst s10  }
0x32: {  	s10 =	sld [smem:$0x3FB1];
	_ =	sdelay $0x3  }
0x33: {  	p0 =	seq.s32 s10, $0x1;
	s10 =	sld [smem:$0x3FB3];
	_ =	sdelay $0x3  }
0x34: {  	[smem:$0x3FB3] =	sst s10  }
0x35: {  	s10 =	sld [smem:$0x3FB2];
	_ =	sdelay $0x3  }
0x36: {  	p1 =	seq.s32 s10, $0x1;
	s10 =	sld [smem:$0x3FB3];
	_ =	sdelay $0x3  }
0x37: {  	[smem:$0x3FB3] =	sst s10  }
0x38: {  	s10 =	sld [smem:$0x3FB4]  }
0x39: {  	_ = 	snop;
	(pc) =	sbr.ind lr, $3  }
0x3a: {  	_ = 	snop  }
0x3b: {  	_ = 	snop  }
0x3c: {  	p2 =	seq.s32 s10, $0x1;
	s10 =	sld [smem:$0x3FB3]  }
0x3d: {  	_ =	shalt  }
0x3e: {  	_ =	shalt  }
0x3f: {  	_ =	shalt  }
0x40: {  	_ =	shalt  }
0x41: {  	_ =	shalt  }
0x42: {  	_ =	shalt  }
0x43: {  	_ =	shalt  }
0x44: {  	_ =	shalt  }
0x45: {  	_ =	shalt  }
0x46: {  	_ =	shalt  }
0x47: {  	_ =	shalt  }
0x48: {  	_ =	shalt  }
0x49: {  	_ =	shalt  }
0x4a: {  	_ =	shalt  }
0x4b: {  	_ =	shalt  }
0x4c: {  	_ =	shalt  }
0x4d: {  	_ =	shalt  }
0x4e: {  	_ =	shalt  }
0x4f: {  	_ =	shalt  }
0x50: {  	_ =	shalt  }
0x51: {  	_ =	shalt  }
0x52: {  	_ =	shalt  }
0x53: {  	_ =	shalt  }
0x54: {  	_ =	shalt  }
0x55: {  	_ =	shalt  }
0x56: {  	_ =	shalt  }
0x57: {  	_ =	shalt  }
0x58: {  	_ =	shalt  }
0x59: {  	_ =	shalt  }
0x5a: {  	_ =	shalt  }
0x5b: {  	_ =	shalt  }
0x5c: {  	_ =	shalt  }
0x5d: {  	_ =	shalt  }
0x5e: {  	_ =	shalt  }
0x5f: {  	_ =	shalt  }
0x60: {  	_ =	shalt  }
0x61: {  	_ =	shalt  }
0x62: {  	_ =	shalt  }
0x63: {  	_ =	shalt  }
0x64: {  	_ =	shalt  }
0x65: {  	_ =	shalt  }
0x66: {  	_ =	shalt  }
0x67: {  	_ =	shalt  }
0x68: {  	_ =	shalt  }
0x69: {  	_ =	shalt  }
0x6a: {  	_ =	shalt  }
0x6b: {  	_ =	shalt  }
0x6c: {  	_ =	shalt  }
0x6d: {  	_ =	shalt  }
0x6e: {  	_ =	shalt  }
0x6f: {  	_ =	shalt  }
0x70: {  	_ =	shalt  }
0x71: {  	_ =	shalt  }
0x72: {  	_ =	shalt  }
0x73: {  	_ =	shalt  }
0x74: {  	_ =	shalt  }
0x75: {  	_ =	shalt  }
0x76: {  	_ =	shalt  }
0x77: {  	_ =	shalt  }
0x78: {  	_ =	shalt  }
0x79: {  	_ =	shalt  }
0x7a: {  	_ =	shalt  }
0x7b: {  	_ =	shalt  }
0x7c: {  	_ =	shalt  }
0x7d: {  	_ =	shalt  }
0x7e: {  	_ =	shalt  }
0x7f: {  	_ =	shalt  }
0x80: {  	_ =	shalt  }
0x81: {  	_ =	shalt  }
0x82: {  	_ =	shalt  }
0x83: {  	_ =	shalt  }
0x84: {  	_ =	shalt  }
0x85: {  	_ =	shalt  }
0x86: {  	_ =	shalt  }
0x87: {  	_ =	shalt  }
.Lfunc_end0:
.L_simem_size_0:
called_computation_lowered:
.L_overlay_start_0:
0x88: {  	s2 =	sld [smem:$0x3FD9]  }
0x89: {  	s3 =	sld [smem:$0x3FFE];
	_ =	sdelay $0x1  }
0x8a: {  	s1 =	srdreg.scid  }
0x8b: {  	s0 =	sand.u32 $0x1, s1  }
0x8c: {  	s16 =	sshll.u32 s0, $0xA;
	s2 =	sadd.s32 s3, s2  }
0x8d: {  	s2 =	sadd.s32 s2, s16  }
0x8e: {  	[smem:$0x3FBF] =	sst s2  }
0x8f: {  	_ = 	snop  }
0x90: {  	(tm) =	ssettm $0x1  }
0x91: {  	s17 =	sld [smem:$0x3FFB];
	_ =	sdelay $0x3  }
0x92: {  	_ =	strace s17  }
0x93: {  	s2 =	sld [smem:$0x3FFC];
	_ =	sdelay $0x3  }
0x94: {  	_ =	strace s2  }
0x95: {  	s2 =	sld [smem:$0x3FFD];
	_ =	sdelay $0x3  }
0x96: {  	_ =	strace s2  }
0x97: {  	_ =	strace $0x8FFFFFFF  }
0x98: {  	s18 =	sld [smem:$0x3FDB];
	_ =	sdelay $0x1  }
0x99: {  	s19 =	simm.s32 $_scs_section_size  }
0x9a: {  	s4 =	simm.s32 $_size__tile_overlayer_lowered;
	s5 =	simm.s32 $_tile_overlayer_lowered  }
0x9b: {  	s22 =	simm.s32 $0x1BFF;
	s21 =	sshll.u32 s5, $0x1;
	s2 =	sadd.s32 s19, s18  }
0x9c: {  	s6 =	simm.s32 $0x0;
	s20 =	sshll.u32 s4, $0x1;
	s4 =	sadd.s32 s21, s2  }
0x9d: {  	[timem:s6], [sflag:s22] =	dma.local [hbm:s4], s20  }
0x9e: {  	_ =	swait.ge [sflag:s22], s20  }
0x9f: {  	s3 =	ssub.s32 $0x0, s20;
	[sflag:s22] =	ssyncset.done $0x0  }
0xa0: {  	[sflag:s22] =	ssyncadd.s32 s3;
	_ =	sdelay $0x1  }
0xa1: {  	s23 =	simm.s32 $0x1B8B  }
0xa2: {  	_ =	swait.ge [sflag:s23], $0x1  }
0xa3: {  	[sflag:s23] =	ssyncset.done $0x0  }
0xa4: {  	s25 =	simm.s32 $0x1B8E;
	s24 =	sld [smem:$0x3FFE];
	[sflag:s23] =	ssyncadd.s32 $0xFFFFFFFF  }
0xa5: {  	s26 =	simm.s32 $execute0_lowered;
	[smem:$0x3FD2] =	sst s25  }
0xa6: {  	s4 =	sshll.u32 s26, $0x1;
	_ =	strace $0x80000046;
	[dreg:$0x1] =	wrdreg $0xFFFFFFFF  }
0xa7: {  	s28 =	simm.s32 $_size_execute0_lowered;
	s2 =	sadd.s32 s2, s4;
	[dreg:$0x0] =	wrdreg $0x0  }
0xa8: {  	s4 =	sshll.u32 s28, $0x1;
	[dreg:$0x2] =	wrdreg s2  }
0xa9: {  	[dreg:$0x3] =	wrdreg s4  }
0xaa: {  	[dreg:$0x4] =	wrdreg $0xC0  }
0xab: {  	_ =	task [dreg:s6], $0x5FFFF  }
0xac: {  	[dreg:$0x1] =	wrdreg $0xFFFFFFFF  }
0xad: {  	[dreg:$0x0] =	wrdreg $0x60  }
0xae: {  	[dreg:$0x2] =	wrdreg s24  }
0xaf: {  	[dreg:$0x3] =	wrdreg $0x0  }
0xb0: {  	[dreg:$0x4] =	wrdreg $0x9  }
0xb1: {  	_ =	task.clear_ibuf [dreg:s6], $0x5FFFF;
	_ =	strace $0x90000046  }
0xb2: {  	s29 =	simm.s32 $0x9;
	_ =	strace $0x80000048  }
0xb3: {  	_ =	swait.ge [sflag:s29], $0x1  }
0xb4: {  	[sflag:s29] =	ssyncadd.s32 $0xFFFFFFFF  }
0xb5: {  	_ =	strace $0x90000048  }
0xb6: {  	_ =	sfence  }
0xb7: {  	s30 =	sld [smem:$0x0];
	_ =	sdelay $0x2  }
0xb8: {  	s31 =	sshll.u32 s1, $0xD;
	s1 =	sshrl.u32 s1, $0x2  }
0xb9: {  	s3 =	sand.u32 $0x4000, s31;
	s1 =	sadd.s32 s1, s30  }
0xba: {  	s0 =	sor.u32 s3, s0;
	s1 =	sshll.u32 s1, $0x11  }
0xbb: {  	s0 =	sor.u32 s1, s0  }
0xbc: {  	s0 =	sadd.s32 $0x8F2B, s0  }
0xbd: {  	[sflag:s0] =	ssyncadd.remote.s32 $0x1  }
0xbe: {  	_ =	sfence.sel $0xFFFF  }
0xbf: {  	[dreg:$0x0] =	wrdreg $0xFFFFFFFF;
	(pc) =	sbr.abs _section_cstart, $3  }
0xc0: {  	[dreg:$0x1] =	wrdreg $0xFFFFFFFF  }
0xc1: {  	_ =	task.clear_ibuf [dreg:s6], $0x2FFFF;
	_ =	strace $0x9FFFFFFF  }
0xc2: {  	(tm) =	ssettm $0x7FFFFFFF  }
0xc3: {  	_ =	shalt  }
tec
execute0_lowered:
.L_overlay_start_1:
0x0: {  	(tag) =	ssettag $0x1  }
0x1: {  	s1 =	srdreg.scid;
	s7 =	rddreg [dreg:$0x0]  }
0x2: {  	s0 =	stileid.u32;
	s2 =	rddreg [dreg:$0x1]  }
0x3: {  	s3 =	simm.s32 $0x0;
	s17 =	simm.s32 $0x13C00;
	s18 =	simm.s32 $0x80  }
0x4: {  	s19 =	simm.s32 $0x13C80;
	s20 =	simm.s32 $0x13D00;
	s21 =	simm.s32 $0x13D80  }
0x5: {  	s22 =	simm.s32 $0x1;
	s23 =	simm.s32 $0x0;
	s8 =	smul.u32 $0x13C00, s0  }
0x6: {  	s6 =	sand.u32 $0x1, s1;
	s30 =	sshll.u32 s0, $0x1;
	s10 =	smul.u32 $0x4F000, s0  }
0x7: {  	[smem:$0x7FF] =	sst s3;
	s1 =	sor.u32 s6, s30;
	s5 =	smul.u32 $0x13C000, s6  }
0x8: {  	s11 =	sshll.u32 s0, $0x6;
	s6 =	ssub.s32 $0x2, s6;
	s4 =	smul.u32 $0x500, s1  }
0x9: {  	s1 =	rddreg [dreg:$0x2];
	_ =	strace $0x80000047;
	s31 =	sshrl.u32 s6, $0x1  }
0xa: {  	s10 =	sshrl.u32 s10, $0x2;
	s5 =	sadd.s32 s8, s5;
	s12 =	ssub.s32 s6, s31  }
0xb: {  	s10 =	sadd.s32 s10, s2;
	s6 =	sor.u32 $0x1C02, s11;
	s11 =	simm.s32 $0x2  }
0xc: {  	s9 =	sadd.s32 s4, s7;
	s4 =	sadd.s32 $0x2600, s7;
	s8 =	sshrl.u32 s5, $0x3  }
0xd: {  	s5 =	sadd.s32 $0xCE00, s7;
	s13 =	sadd.s32 $0x4000, s10;
	s14 =	sadd.s32 $0x8000, s10  }
0xe: {  	s15 =	sadd.s32 $0xC000, s10;
	s16 =	sadd.s32 $0x10000, s10;
	s10 =	sshrl.u32 s10, $0x3  }
0xf: {  	s8 =	sadd.s32 s8, s7;
	s7 =	sadd.s32 $0x2E00, s9;
	s9 =	smax.u32 s12, $0x1  }
0x10: {  	s12 =	sshrl.u32 s13, $0x3;
	s13 =	sshrl.u32 s14, $0x3;
	s14 =	sshrl.u32 s15, $0x3  }
0x11: {  	s15 =	sshrl.u32 s16, $0x3;
	s16 =	simm.s32 $0x16400;
	s8 =	sadd.s32 $0xD600, s8  }
.LBB2_1:
0x12: {  	[spmem:s10], [sflag:s6] =	dma.local [hbm:s5], $0x800  }
0x13: {  	_ =	swait.ge [sflag:s11], $0x800  }
0x14: {  	[sflag:s11] =	ssyncset.done $0x0  }
0x15: {  	[sflag:s11] =	ssyncadd.s32 $0xFFFFF800  }
0x16: {  	[spmem:s12], [sflag:s6] =	dma.local [hbm:s5], $0x800  }
0x17: {  	_ =	swait.ge [sflag:s11], $0x800  }
0x18: {  	[sflag:s11] =	ssyncset.done $0x0  }
0x19: {  	[sflag:s11] =	ssyncadd.s32 $0xFFFFF800  }
0x1a: {  	[spmem:s13], [sflag:s6] =	dma.local [hbm:s5], $0x800  }
0x1b: {  	_ =	swait.ge [sflag:s11], $0x800  }
0x1c: {  	[sflag:s11] =	ssyncset.done $0x0  }
0x1d: {  	[sflag:s11] =	ssyncadd.s32 $0xFFFFF800  }
0x1e: {  	[spmem:s14], [sflag:s6] =	dma.local [hbm:s5], $0x800  }
0x1f: {  	_ =	swait.ge [sflag:s11], $0x800  }
0x20: {  	[sflag:s11] =	ssyncset.done $0x0  }
0x21: {  	[sflag:s11] =	ssyncadd.s32 $0xFFFFF800  }
0x22: {  	[spmem:s15], [sflag:s6] =	dma.local [hbm:s5], $0x780  }
0x23: {  	_ =	swait.ge [sflag:s11], $0x780  }
0x24: {  	[sflag:s11] =	ssyncset.done $0x0  }
0x25: {  	[sflag:s11] =	ssyncadd.s32 $0xFFFFF880  }
0x26: {  	[tilespmem:s16], [sflag:$0x2] =	stream.linear.gather [hbm4b:s4+s3], $0x4000, $0x38;
	[tilespmem:$0x1A400] =	vst v63  }
0x27: {  	_ =	swait.ge [sflag:s11], $0x4000  }
0x28: {  	[sflag:s11] =	ssyncset.done $0x0  }
0x29: {  	[sflag:s11] =	ssyncadd.s32 $0xFFFFC000  }
0x2a: {  	[tilespmem:s17], [sflag:$0x2] =	stream.linear.gather [hbm4b:s7+s3], $0x2800, $0x38;
	[tilespmem:$0x1A400] =	vst v63  }
0x2b: {  	_ =	swait.ge [sflag:s11], $0x2800  }
0x2c: {  	[sflag:s11] =	ssyncset.done $0x0  }
0x2d: {  	[sflag:s11] =	ssyncadd.s32 $0xFFFFD800  }
0x2e: {  	[bflag:$0x0] =	sbarrier.arrive $0xFFFF  }
0x2f: {  	[spmem:s2] =	stream.indirect.scatter.add.f32 [tilespmem:s16], [sflag:$0x1], $0x80, s17, s18, $0xb8;
	[tilespmem:$0x1A400] =	vst v63  }
0x30: {  	_ = 	snop  }
0x31: {  	[spmem:s2] =	stream.indirect.scatter.add.f32 [tilespmem:s16], [sflag:$0x1], $0x80, s19, s18, $0xb8;
	[tilespmem:$0x1A400] =	vst v63  }
0x32: {  	_ = 	snop  }
0x33: {  	[spmem:s2] =	stream.indirect.scatter.add.f32 [tilespmem:s16], [sflag:$0x1], $0x80, s20, s18, $0xb8;
	[tilespmem:$0x1A400] =	vst v63  }
0x34: {  	_ = 	snop  }
0x35: {  	[spmem:s2] =	stream.indirect.scatter.add.f32 [tilespmem:s16], [sflag:$0x1], $0x80, s21, s18, $0xb8;
	[tilespmem:$0x1A400] =	vst v63  }
0x36: {  	s24 =	simm.s32 $0x13E00  }
0x37: {  	[spmem:s2] =	stream.indirect.scatter.add.f32 [tilespmem:s16], [sflag:$0x1], $0x80, s24, s18, $0xb8;
	[tilespmem:$0x1A400] =	vst v63  }
0x38: {  	s24 =	simm.s32 $0xA00;
	_ =	swait.ge [sflag:s22], $0x4000  }
.LBB2_2:
0x39: {  	s25 =	sshra.s32 s24, $0x2;
	[sflag:s22] =	ssyncset.done $0x0;
	p0 =	sne.s32 s24, $0x9E00  }
.Ltmp0:
0x3a: {  	s25 =	sadd.s32 $0x13C00, s25;
	[sflag:s22] =	ssyncadd.s32 $0xFFFFC000;
	(pc) =	sbr.rel @p0 .LBB2_2-.Ltmp0, $3  }
0x3b: {  	[spmem:s2] =	stream.indirect.scatter.add.f32 [tilespmem:s16], [sflag:$0x1], $0x80, s25, s18, $0xb8;
	[tilespmem:$0x1A400] =	vst v63  }
0x3c: {  	s24 =	sadd.s32 $0x200, s24;
	_ =	sdelay $0x1  }
0x3d: {  	_ =	swait.ge [sflag:s22], $0x4000  }
0x3e: {  	[sflag:s22] =	ssyncset.done $0x0  }
0x3f: {  	[sflag:s22] =	ssyncadd.s32 $0xFFFFC000  }
0x40: {  	_ =	swait.ge [sflag:s22], $0x4000  }
0x41: {  	[sflag:s22] =	ssyncset.done $0x0  }
0x42: {  	[sflag:s22] =	ssyncadd.s32 $0xFFFFC000  }
0x43: {  	_ =	swait.ge [sflag:s22], $0x4000  }
0x44: {  	[sflag:s22] =	ssyncset.done $0x0  }
0x45: {  	[sflag:s22] =	ssyncadd.s32 $0xFFFFC000  }
0x46: {  	_ =	swait.ge [sflag:s22], $0x4000  }
0x47: {  	[sflag:s22] =	ssyncset.done $0x0  }
0x48: {  	[sflag:s22] =	ssyncadd.s32 $0xFFFFC000  }
0x49: {  	_ =	swait.ge [sflag:s22], $0x4000  }
0x4a: {  	s23 =	sadd.s32 $0x1, s23;
	[sflag:s22] =	ssyncset.done $0x0  }
0x4b: {  	p0 =	sne.s32 s23, s9;
	[sflag:s22] =	ssyncadd.s32 $0xFFFFC000  }
.Ltmp1:
0x4c: {  	[bflag:$0x0] =	sbarrier.arrive $0xFFFF;
	(pc) =	sbr.rel @p0 .LBB2_1-.Ltmp1, $4  }
0x4d: {  	[hbm:s8], [sflag:s6] =	dma.local [spmem:s10], $0x2780  }
0x4e: {  	_ =	swait.ge [sflag:s11], $0x2780  }
0x4f: {  	[sflag:s11] =	ssyncset.done $0x0  }
0x50: {  	[sflag:s11] =	ssyncadd.s32 $0xFFFFD880  }
0x51: {  	_ =	sfence.sel $0x180000  }
0x52: {  	[bflag:$0x0] =	sbarrier.arrive $0xFFFF  }
0x53: {  	p0 =	sne.s32 s0, $0x0;
	_ =	strace $0x90000047  }
0x54: {  	s0 =	sadd.s32 @!p0 $0x100000, s1;
	[bflag:$0x2] =	sbarrier.arrive $0xFFFF  }
0x55: {  	[sflag:s0] =	ssyncadd.tile.s32 @!p0 $0x1;
	_ =	shalt  }
.Lfunc_end2:
_tile_overlayer_lowered:
.L_overlay_start_2:
0x56: {  	(tag) =	ssettag $0x2  }
0x57: {  	s0 =	rddreg [dreg:$0x0];
	s2 =	stileid.u32  }
0x58: {  	s1 =	rddreg [dreg:$0x1];
	p0 =	sne.s32 s2, $0x0  }
0x59: {  	s3 =	rddreg [dreg:$0x2];
	[bflag:$0x3] =	sbarrier.arrive $0xFFFF;
	s2 =	simm.s32 @!p0 $0x1C02  }
0x5a: {  	[timem:s3], [sflag:s2] =	dma.local @!p0 [hbm:s0], s1  }
0x5b: {  	s0 =	simm.s32 @!p0 $0x2  }
0x5c: {  	_ =	swait.ge @!p0 [sflag:s0], s1  }
0x5d: {  	s1 =	ssub.s32 @!p0 $0x0, s1;
	[sflag:s0] =	ssyncset.done @!p0 $0x0  }
0x5e: {  	[sflag:s0] =	ssyncadd.s32 @!p0 s1  }
0x5f: {  	[bflag:$0x3] =	sbarrier.arrive $0xFFFF  }
0x60: {  	_ =	shalt  }

// kernel: kernel.9.cloned.1.call-start
scs
__scs_entry_jumppad:
0x0: {  	(pc) =	sbr.rel $0x88, $3  }
0x1: {  	(tag) =	ssettag $0x0;
	lr =	simm.s32 $0x1  }
0x2: {  	[smem:$0x3F98] =	sst lr;
	_ =	strace $0xD0000000  }
0x3: {  	_ = 	snop  }
0x4: {  	_ = 	snop  }
0x5: {  	_ = 	snop  }
0x6: {  	_ = 	snop  }
0x7: {  	_ = 	snop  }
__scs_overlays_trampoline_lowered:
0x8: {  	[smem:$0x3FA7] =	sst s0  }
0x9: {  	[smem:$0x3FA8] =	sst s1  }
0xa: {  	[smem:$0x3FA9] =	sst s2  }
0xb: {  	[smem:$0x3FAA] =	sst s3  }
0xc: {  	[smem:$0x3FAB] =	sst s4  }
0xd: {  	[smem:$0x3FAC] =	sst s5  }
0xe: {  	[smem:$0x3FAD] =	sst s6  }
0xf: {  	[smem:$0x3FAE] =	sst s7  }
0x10: {  	[smem:$0x3FAF] =	sst s8  }
0x11: {  	[smem:$0x3FB0] =	sst s9;
	s0 =	simm.s32 @!p0 $0x0  }
0x12: {  	s1 =	sld [smem:$0x3F96];
	s0 =	simm.s32 @p0 $0x1  }
0x13: {  	[smem:$0x3FB1] =	sst s0;
	s0 =	simm.s32 @!p1 $0x0  }
0x14: {  	s2 =	sld [smem:$0x3F95];
	s0 =	simm.s32 @p1 $0x1  }
0x15: {  	[smem:$0x3FB2] =	sst s0;
	s0 =	simm.s32 @!p2 $0x0  }
0x16: {  	s3 =	sld [smem:$0x3FDB];
	s0 =	simm.s32 @p2 $0x1  }
0x17: {  	s4 =	simm.s32 $0x1BF5;
	[smem:$0x3FB4] =	sst s0  }
0x18: {  	s0 =	sld [smem:$0x3F97];
	_ =	swait.ge [sflag:s4], $0x0  }
0x19: {  	s7 =	sld [smem:$0x3F98]  }
0x1a: {  	s8 =	sadd.s32 $0xFFFFE003, lr  }
0x1b: {  	s9 =	sadd.s32 $0xFFFFFEF7, lr;
	s5 =	simm.s32 $0xFFFFFFFF;
	p2 =	slt.u32 s8, $0xFFFFF086  }
0x1c: {  	p1 =	slt.u32 s9, $0xF7A;
	s5 =	simm.s32 @!p2 $0x0  }
0x1d: {  	s5 =	simm.s32 @p1 $0x1;
	p0 =	seq.s32 s7, s2  }
0x1e: {  	s7 =	smul.u32 @!p0 $0xF7A, s2;
	p2 =	seq.s32 @!p0 s5, $0x0  }
0x1f: {  	s9 =	smul.u32 $0xF7A, s1;
	s8 =	simm.s32 @!p0 $0x1BF5;
	p2 =	por !p2, p0  }
0x20: {  	[sflag:s8] =	ssyncset.s32 @!p0 $0xFFFFF086;
	s6 =	sadd.s32 @!p0 s3, s7;
	s7 =	simm.s32 @!p0 $0x108  }
0x21: {  	s3 =	sadd.s32 s3, s9;
	s6 =	sadd.s32 @!p0 $0x88, s6;
	s7 =	simm.s32 @p2 $0x1082  }
0x22: {  	[simem:s7], [sflag:s8] =	dma.local @!p0 [hbm:s6], $0xF7A  }
0x23: {  	s9 =	sor.u32 $0xD0000000, s2;
	s6 =	simm.s32 $0x108;
	_ =	swait.ge @!p0 [sflag:s8], $0x0  }
0x24: {  	s3 =	sadd.s32 $0x88, s3;
	s6 =	simm.s32 @!p1 $0x1082;
	[sflag:s4] =	ssyncset.s32 $0xFFFFF086  }
0x25: {  	[simem:s6], [sflag:s4] =	dma.local [hbm:s3], $0xF7A  }
0x26: {  	[smem:$0x3F98] =	sst s1;
	(tag) =	ssettag s2;
	_ =	strace s9  }
0x27: {  	s1 =	sld [smem:$0x3FA8]  }
0x28: {  	s2 =	sld [smem:$0x3FA9]  }
0x29: {  	s4 =	sld [smem:$0x3FAB]  }
0x2a: {  	p0 =	seq.s32 s5, $0x0;
	s5 =	sld [smem:$0x3FAC]  }
0x2b: {  	s6 =	sld [smem:$0x3FAD]  }
0x2c: {  	s7 =	sld [smem:$0x3FAE]  }
0x2d: {  	s3 =	simm.s32 $0x108;
	s8 =	sld [smem:$0x3FAF]  }
0x2e: {  	s3 =	simm.s32 @!p0 $0x1082;
	s9 =	sld [smem:$0x3FB0]  }
0x2f: {  	lr =	sadd.s32 s0, s3;
	s0 =	sld [smem:$0x3FA7]  }
0x30: {  	s3 =	sld [smem:$0x3FAA]  }
0x31: {  	[smem:$0x3FB3] =	sst s10  }
0x32: {  	s10 =	sld [smem:$0x3FB1];
	_ =	sdelay $0x3  }
0x33: {  	p0 =	seq.s32 s10, $0x1;
	s10 =	sld [smem:$0x3FB3];
	_ =	sdelay $0x3  }
0x34: {  	[smem:$0x3FB3] =	sst s10  }
0x35: {  	s10 =	sld [smem:$0x3FB2];
	_ =	sdelay $0x3  }
0x36: {  	p1 =	seq.s32 s10, $0x1;
	s10 =	sld [smem:$0x3FB3];
	_ =	sdelay $0x3  }
0x37: {  	[smem:$0x3FB3] =	sst s10  }
0x38: {  	s10 =	sld [smem:$0x3FB4]  }
0x39: {  	_ = 	snop;
	(pc) =	sbr.ind lr, $3  }
0x3a: {  	_ = 	snop  }
0x3b: {  	_ = 	snop  }
0x3c: {  	p2 =	seq.s32 s10, $0x1;
	s10 =	sld [smem:$0x3FB3]  }
0x3d: {  	_ =	shalt  }
0x3e: {  	_ =	shalt  }
0x3f: {  	_ =	shalt  }
0x40: {  	_ =	shalt  }
0x41: {  	_ =	shalt  }
0x42: {  	_ =	shalt  }
0x43: {  	_ =	shalt  }
0x44: {  	_ =	shalt  }
0x45: {  	_ =	shalt  }
0x46: {  	_ =	shalt  }
0x47: {  	_ =	shalt  }
0x48: {  	_ =	shalt  }
0x49: {  	_ =	shalt  }
0x4a: {  	_ =	shalt  }
0x4b: {  	_ =	shalt  }
0x4c: {  	_ =	shalt  }
0x4d: {  	_ =	shalt  }
0x4e: {  	_ =	shalt  }
0x4f: {  	_ =	shalt  }
0x50: {  	_ =	shalt  }
0x51: {  	_ =	shalt  }
0x52: {  	_ =	shalt  }
0x53: {  	_ =	shalt  }
0x54: {  	_ =	shalt  }
0x55: {  	_ =	shalt  }
0x56: {  	_ =	shalt  }
0x57: {  	_ =	shalt  }
0x58: {  	_ =	shalt  }
0x59: {  	_ =	shalt  }
0x5a: {  	_ =	shalt  }
0x5b: {  	_ =	shalt  }
0x5c: {  	_ =	shalt  }
0x5d: {  	_ =	shalt  }
0x5e: {  	_ =	shalt  }
0x5f: {  	_ =	shalt  }
0x60: {  	_ =	shalt  }
0x61: {  	_ =	shalt  }
0x62: {  	_ =	shalt  }
0x63: {  	_ =	shalt  }
0x64: {  	_ =	shalt  }
0x65: {  	_ =	shalt  }
0x66: {  	_ =	shalt  }
0x67: {  	_ =	shalt  }
0x68: {  	_ =	shalt  }
0x69: {  	_ =	shalt  }
0x6a: {  	_ =	shalt  }
0x6b: {  	_ =	shalt  }
0x6c: {  	_ =	shalt  }
0x6d: {  	_ =	shalt  }
0x6e: {  	_ =	shalt  }
0x6f: {  	_ =	shalt  }
0x70: {  	_ =	shalt  }
0x71: {  	_ =	shalt  }
0x72: {  	_ =	shalt  }
0x73: {  	_ =	shalt  }
0x74: {  	_ =	shalt  }
0x75: {  	_ =	shalt  }
0x76: {  	_ =	shalt  }
0x77: {  	_ =	shalt  }
0x78: {  	_ =	shalt  }
0x79: {  	_ =	shalt  }
0x7a: {  	_ =	shalt  }
0x7b: {  	_ =	shalt  }
0x7c: {  	_ =	shalt  }
0x7d: {  	_ =	shalt  }
0x7e: {  	_ =	shalt  }
0x7f: {  	_ =	shalt  }
0x80: {  	_ =	shalt  }
0x81: {  	_ =	shalt  }
0x82: {  	_ =	shalt  }
0x83: {  	_ =	shalt  }
0x84: {  	_ =	shalt  }
0x85: {  	_ =	shalt  }
0x86: {  	_ =	shalt  }
0x87: {  	_ =	shalt  }
.Lfunc_end0:
.L_simem_size_0:
called_computation.1_lowered:
.L_overlay_start_0:
0x88: {  	s2 =	sld [smem:$0x3FD9]  }
0x89: {  	s3 =	sld [smem:$0x3FFE];
	_ =	sdelay $0x1  }
0x8a: {  	s1 =	srdreg.scid  }
0x8b: {  	s0 =	sand.u32 $0x1, s1  }
0x8c: {  	s16 =	sshll.u32 s0, $0xA;
	s2 =	sadd.s32 s3, s2  }
0x8d: {  	s2 =	sadd.s32 s2, s16  }
0x8e: {  	[smem:$0x3FBF] =	sst s2  }
0x8f: {  	_ = 	snop  }
0x90: {  	(tm) =	ssettm $0x1  }
0x91: {  	s17 =	sld [smem:$0x3FFB];
	_ =	sdelay $0x3  }
0x92: {  	_ =	strace s17  }
0x93: {  	s2 =	sld [smem:$0x3FFC];
	_ =	sdelay $0x3  }
0x94: {  	_ =	strace s2  }
0x95: {  	s2 =	sld [smem:$0x3FFD];
	_ =	sdelay $0x3  }
0x96: {  	_ =	strace s2  }
0x97: {  	_ =	strace $0x8FFFFFFF  }
0x98: {  	s18 =	sld [smem:$0x3FDB];
	_ =	sdelay $0x1  }
0x99: {  	s19 =	simm.s32 $_scs_section_size  }
0x9a: {  	s4 =	simm.s32 $_size__tile_overlayer_lowered;
	s5 =	simm.s32 $_tile_overlayer_lowered  }
0x9b: {  	s22 =	simm.s32 $0x1BFF;
	s21 =	sshll.u32 s5, $0x1;
	s2 =	sadd.s32 s19, s18  }
0x9c: {  	s6 =	simm.s32 $0x0;
	s20 =	sshll.u32 s4, $0x1;
	s4 =	sadd.s32 s21, s2  }
0x9d: {  	[timem:s6], [sflag:s22] =	dma.local [hbm:s4], s20  }
0x9e: {  	_ =	swait.ge [sflag:s22], s20  }
0x9f: {  	s3 =	ssub.s32 $0x0, s20;
	[sflag:s22] =	ssyncset.done $0x0  }
0xa0: {  	[sflag:s22] =	ssyncadd.s32 s3;
	_ =	sdelay $0x1  }
0xa1: {  	s23 =	simm.s32 $0x1B8B  }
0xa2: {  	_ =	swait.ge [sflag:s23], $0x1  }
0xa3: {  	[sflag:s23] =	ssyncset.done $0x0  }
0xa4: {  	s25 =	simm.s32 $0x1B8E;
	s24 =	sld [smem:$0x3FFE];
	[sflag:s23] =	ssyncadd.s32 $0xFFFFFFFF  }
0xa5: {  	s26 =	simm.s32 $execute0_lowered;
	[smem:$0x3FD2] =	sst s25  }
0xa6: {  	s4 =	sshll.u32 s26, $0x1;
	_ =	strace $0x80000049;
	[dreg:$0x1] =	wrdreg $0xFFFFFFFF  }
0xa7: {  	s28 =	simm.s32 $_size_execute0_lowered;
	s2 =	sadd.s32 s2, s4;
	[dreg:$0x0] =	wrdreg $0x0  }
0xa8: {  	s4 =	sshll.u32 s28, $0x1;
	[dreg:$0x2] =	wrdreg s2  }
0xa9: {  	[dreg:$0x3] =	wrdreg s4  }
0xaa: {  	[dreg:$0x4] =	wrdreg $0xC0  }
0xab: {  	_ =	task [dreg:s6], $0x5FFFF  }
0xac: {  	[dreg:$0x1] =	wrdreg $0xFFFFFFFF  }
0xad: {  	[dreg:$0x0] =	wrdreg $0x60  }
0xae: {  	[dreg:$0x2] =	wrdreg s24  }
0xaf: {  	[dreg:$0x3] =	wrdreg $0x0  }
0xb0: {  	[dreg:$0x4] =	wrdreg $0x9  }
0xb1: {  	_ =	task.clear_ibuf [dreg:s6], $0x5FFFF;
	_ =	strace $0x90000049  }
0xb2: {  	s29 =	simm.s32 $0x9;
	_ =	strace $0x8000004B  }
0xb3: {  	_ =	swait.ge [sflag:s29], $0x1  }
0xb4: {  	[sflag:s29] =	ssyncadd.s32 $0xFFFFFFFF  }
0xb5: {  	_ =	strace $0x9000004B  }
0xb6: {  	_ =	sfence  }
0xb7: {  	s30 =	sld [smem:$0x0];
	_ =	sdelay $0x2  }
0xb8: {  	s31 =	sshll.u32 s1, $0xD;
	s1 =	sshrl.u32 s1, $0x2  }
0xb9: {  	s3 =	sand.u32 $0x4000, s31;
	s1 =	sadd.s32 s1, s30  }
0xba: {  	s0 =	sor.u32 s3, s0;
	s1 =	sshll.u32 s1, $0x11  }
0xbb: {  	s0 =	sor.u32 s1, s0  }
0xbc: {  	s0 =	sadd.s32 $0x8F2B, s0  }
0xbd: {  	[sflag:s0] =	ssyncadd.remote.s32 $0x1  }
0xbe: {  	_ =	sfence.sel $0xFFFF  }
0xbf: {  	[dreg:$0x0] =	wrdreg $0xFFFFFFFF;
	(pc) =	sbr.abs _section_cstart, $3  }
0xc0: {  	[dreg:$0x1] =	wrdreg $0xFFFFFFFF  }
0xc1: {  	_ =	task.clear_ibuf [dreg:s6], $0x2FFFF;
	_ =	strace $0x9FFFFFFF  }
0xc2: {  	(tm) =	ssettm $0x7FFFFFFF  }
0xc3: {  	_ =	shalt  }
tec
execute0_lowered:
.L_overlay_start_1:
0x0: {  	(tag) =	ssettag $0x1  }
0x1: {  	s0 =	rddreg [dreg:$0x0]  }
0x2: {  	s1 =	rddreg [dreg:$0x1];
	s2 =	srdreg.scid  }
0x3: {  	s3 =	simm.s32 $0x0;
	s12 =	stileid.u32;
	s14 =	simm.s32 $0x5  }
0x4: {  	s19 =	simm.s32 $0x13C00;
	s20 =	simm.s32 $0x15000;
	s28 =	simm.s32 $0x15080  }
0x5: {  	s29 =	simm.s32 $0x3;
	s30 =	simm.s32 $0x4;
	s31 =	simm.s32 $0x0  }
0x6: {  	s2 =	sand.u32 $0x1, s2;
	[smem:$0x7FF] =	sst s3;
	s6 =	smul.u32 $0x13C00, s12  }
0x7: {  	s4 =	sadd.s32 $0xD600, s0;
	s9 =	sadd.s32 $0x66A00, s0;
	s10 =	sadd.s32 $0x5C600, s0  }
0x8: {  	s7 =	smul.u32 $0x4F000, s12;
	s8 =	sshll.u32 s12, $0x1;
	s22 =	sshll.u32 s12, $0x6  }
0x9: {  	s5 =	smul.u32 $0x13C000, s2;
	s21 =	ssub.s32 $0x2, s2;
	s2 =	sor.u32 s2, s8  }
0xa: {  	_ =	strace $0x8000004A;
	s11 =	sshrl.u32 s21, $0x1;
	s8 =	smul.u32 $0x2800, s2  }
0xb: {  	s7 =	sshrl.u32 s7, $0x2;
	s2 =	smul.u32 $0x500, s2;
	s6 =	sadd.s32 s6, s5  }
0xc: {  	s5 =	sadd.s32 $0xCE00, s0;
	s13 =	sadd.s32 s7, s1;
	s23 =	ssub.s32 s21, s11  }
0xd: {  	s21 =	simm.s32 $0x80;
	s6 =	sshrl.u32 s6, $0x3;
	s15 =	sadd.s32 $0x4000, s13  }
0xe: {  	s16 =	sadd.s32 $0x8000, s13;
	s24 =	sshrl.u32 s8, $0x3;
	s17 =	sadd.s32 $0xC000, s13  }
0xf: {  	s18 =	sadd.s32 $0x10000, s13;
	s26 =	sadd.s32 s9, s2;
	s8 =	sadd.s32 s10, s2  }
0x10: {  	s12 =	smax.u32 s23, $0x1;
	s13 =	sshrl.u32 s13, $0x3;
	s23 =	simm.s32 $0x13C80  }
0x11: {  	s0 =	sadd.s32 s6, s0;
	s6 =	sor.u32 $0x1C05, s22;
	s25 =	sadd.s32 $0x280, s24  }
0x12: {  	[dreg:$0x3] =	wrdreg s26;
	s15 =	sshrl.u32 s15, $0x3;
	s16 =	sshrl.u32 s16, $0x3  }
0x13: {  	s17 =	sshrl.u32 s17, $0x3;
	s18 =	sshrl.u32 s18, $0x3;
	s22 =	simm.s32 $0x16400  }
0x14: {  	s24 =	simm.s32 $0x1A400;
	s26 =	simm.s32 $0x2;
	s9 =	sadd.s32 s9, s25  }
0x15: {  	s10 =	sadd.s32 s10, s25;
	s11 =	sadd.s32 $0x70E00, s0;
	s25 =	simm.s32 $0x1  }
.LBB2_1:
0x16: {  	[spmem:s13], [sflag:s6] =	dma.local [hbm:s5], $0x800  }
0x17: {  	_ =	swait.ge [sflag:s14], $0x800  }
0x18: {  	[sflag:s14] =	ssyncset.done $0x0  }
0x19: {  	[sflag:s14] =	ssyncadd.s32 $0xFFFFF800  }
0x1a: {  	[spmem:s15], [sflag:s6] =	dma.local [hbm:s5], $0x800  }
0x1b: {  	_ =	swait.ge [sflag:s14], $0x800  }
0x1c: {  	[sflag:s14] =	ssyncset.done $0x0  }
0x1d: {  	[sflag:s14] =	ssyncadd.s32 $0xFFFFF800  }
0x1e: {  	[spmem:s16], [sflag:s6] =	dma.local [hbm:s5], $0x800  }
0x1f: {  	_ =	swait.ge [sflag:s14], $0x800  }
0x20: {  	[sflag:s14] =	ssyncset.done $0x0  }
0x21: {  	[sflag:s14] =	ssyncadd.s32 $0xFFFFF800  }
0x22: {  	[spmem:s17], [sflag:s6] =	dma.local [hbm:s5], $0x800  }
0x23: {  	_ =	swait.ge [sflag:s14], $0x800  }
0x24: {  	[sflag:s14] =	ssyncset.done $0x0  }
0x25: {  	[sflag:s14] =	ssyncadd.s32 $0xFFFFF800  }
0x26: {  	[spmem:s18], [sflag:s6] =	dma.local [hbm:s5], $0x780  }
0x27: {  	_ =	swait.ge [sflag:s14], $0x780  }
0x28: {  	[sflag:s14] =	ssyncset.done $0x0  }
0x29: {  	[sflag:s14] =	ssyncadd.s32 $0xFFFFF880  }
0x2a: {  	[bflag:$0x0] =	sbarrier.arrive $0xFFFF  }
0x2b: {  	s0 =	rddreg [dreg:$0x3]  }
0x2c: {  	[tilespmem:s19], [sflag:$0x5] =	stream.linear.gather [hbm4b:s0+s3], $0x1400, $0x38;
	[tilespmem:$0x1E400] =	vst v63  }
0x2d: {  	_ =	swait.ge [sflag:s14], $0x1400  }
0x2e: {  	[sflag:s14] =	ssyncset.done $0x0  }
0x2f: {  	[sflag:s14] =	ssyncadd.s32 $0xFFFFEC00  }
0x30: {  	[tilespmem:s20], [sflag:$0x5] =	stream.linear.gather [hbm4b:s8+s3], $0x1400, $0x38;
	[tilespmem:$0x1E400] =	vst v63  }
0x31: {  	_ =	swait.ge [sflag:s14], $0x1400  }
0x32: {  	[sflag:s14] =	ssyncset.done $0x0  }
0x33: {  	[sflag:s14] =	ssyncadd.s32 $0xFFFFEC00  }
0x34: {  	[tilespmem:s22], [sflag:$0x1] =	stream.indirect.gather [hbm4b:s4+s21], $0x80, s19, s21, $0xb8;
	[tilespmem:$0x1E400] =	vst v63  }
0x35: {  	_ = 	snop  }
0x36: {  	[tilespmem:s24], [sflag:$0x2] =	stream.indirect.gather [hbm4b:s4+s21], $0x80, s23, s21, $0xb8;
	[tilespmem:$0x1E400] =	vst v63  }
0x37: {  	_ =	swait.ge [sflag:s25], $0x4000  }
0x38: {  	[sflag:s25] =	ssyncset.done $0x0  }
0x39: {  	[sflag:s25] =	ssyncadd.s32 $0xFFFFC000  }
0x3a: {  	[spmem:s1] =	stream.indirect.scatter.add.f32 [tilespmem:s22], [sflag:$0x3], $0x80, s20, s21, $0xb8;
	[tilespmem:$0x1E400] =	vst v63  }
0x3b: {  	_ =	swait.ge [sflag:s26], $0x4000  }
0x3c: {  	[sflag:s26] =	ssyncset.done $0x0  }
0x3d: {  	[sflag:s26] =	ssyncadd.s32 $0xFFFFC000  }
0x3e: {  	[spmem:s1] =	stream.indirect.scatter.add.f32 [tilespmem:s24], [sflag:$0x4], $0x80, s28, s21, $0xb8;
	[tilespmem:$0x1E400] =	vst v63  }
0x3f: {  	_ =	swait.ge [sflag:s29], $0x4000  }
0x40: {  	[sflag:s29] =	ssyncset.done $0x0  }
0x41: {  	s7 =	simm.s32 $0x13D00;
	[sflag:s29] =	ssyncadd.s32 $0xFFFFC000  }
0x42: {  	[tilespmem:s22], [sflag:$0x1] =	stream.indirect.gather [hbm4b:s4+s21], $0x80, s7, s21, $0xb8;
	[tilespmem:$0x1E400] =	vst v63  }
0x43: {  	_ =	swait.ge [sflag:s30], $0x4000  }
0x44: {  	[sflag:s30] =	ssyncset.done $0x0  }
0x45: {  	s2 =	simm.s32 $0x13D80;
	[sflag:s30] =	ssyncadd.s32 $0xFFFFC000  }
0x46: {  	[tilespmem:s24], [sflag:$0x2] =	stream.indirect.gather [hbm4b:s4+s21], $0x80, s2, s21, $0xb8;
	[tilespmem:$0x1E400] =	vst v63  }
0x47: {  	_ =	swait.ge [sflag:s25], $0x4000  }
0x48: {  	[sflag:s25] =	ssyncset.done $0x0  }
0x49: {  	s7 =	simm.s32 $0x15100;
	[sflag:s25] =	ssyncadd.s32 $0xFFFFC000  }
0x4a: {  	[spmem:s1] =	stream.indirect.scatter.add.f32 [tilespmem:s22], [sflag:$0x3], $0x80, s7, s21, $0xb8;
	[tilespmem:$0x1E400] =	vst v63  }
0x4b: {  	_ =	swait.ge [sflag:s26], $0x4000  }
0x4c: {  	[sflag:s26] =	ssyncset.done $0x0  }
0x4d: {  	s0 =	simm.s32 $0xFFFFB800;
	s2 =	simm.s32 $0x15180;
	[sflag:s26] =	ssyncadd.s32 $0xFFFFC000  }
.LBB2_2:
0x4e: {  	[spmem:s1] =	stream.indirect.scatter.add.f32 [tilespmem:s24], [sflag:$0x4], $0x80, s2, s21, $0xb8;
	[tilespmem:$0x1E400] =	vst v63  }
0x4f: {  	s2 =	smov.u32 s0  }
0x50: {  	p0 =	sne.s32 s0, $0xFFFFFC00;
	s0 =	sadd.s32 $0x400, s0;
	_ =	swait.ge [sflag:s29], $0x4000  }
0x51: {  	s2 =	sshra.s32 s2, $0x2;
	[sflag:s29] =	ssyncset.done $0x0  }
0x52: {  	s7 =	sadd.s32 $0x15000, s2;
	[sflag:s29] =	ssyncadd.s32 $0xFFFFC000  }
0x53: {  	[tilespmem:s22], [sflag:$0x1] =	stream.indirect.gather [hbm4b:s4+s21], $0x80, s7, s21, $0xb8;
	[tilespmem:$0x1E400] =	vst v63  }
0x54: {  	_ =	swait.ge [sflag:s30], $0x4000  }
0x55: {  	[sflag:s30] =	ssyncset.done $0x0  }
0x56: {  	s7 =	sadd.s32 $0x15080, s2;
	[sflag:s30] =	ssyncadd.s32 $0xFFFFC000  }
0x57: {  	[tilespmem:s24], [sflag:$0x2] =	stream.indirect.gather [hbm4b:s4+s21], $0x80, s7, s21, $0xb8;
	[tilespmem:$0x1E400] =	vst v63  }
0x58: {  	_ =	swait.ge [sflag:s25], $0x4000  }
0x59: {  	[sflag:s25] =	ssyncset.done $0x0  }
.Ltmp0:
0x5a: {  	s7 =	sadd.s32 $0x16400, s2;
	[sflag:s25] =	ssyncadd.s32 $0xFFFFC000;
	(pc) =	sbr.rel @p0 .LBB2_2-.Ltmp0, $4  }
0x5b: {  	[spmem:s1] =	stream.indirect.scatter.add.f32 [tilespmem:s22], [sflag:$0x3], $0x80, s7, s21, $0xb8;
	[tilespmem:$0x1E400] =	vst v63  }
0x5c: {  	_ =	swait.ge [sflag:s26], $0x4000  }
0x5d: {  	[sflag:s26] =	ssyncset.done $0x0  }
0x5e: {  	s2 =	sadd.s32 $0x16480, s2;
	[sflag:s26] =	ssyncadd.s32 $0xFFFFC000  }
0x5f: {  	[spmem:s1] =	stream.indirect.scatter.add.f32 [tilespmem:s24], [sflag:$0x4], $0x80, s2, s21, $0xb8;
	[tilespmem:$0x1E400] =	vst v63  }
0x60: {  	_ =	swait.ge [sflag:s29], $0x4000  }
0x61: {  	[sflag:s29] =	ssyncset.done $0x0  }
0x62: {  	[sflag:s29] =	ssyncadd.s32 $0xFFFFC000  }
0x63: {  	_ =	swait.ge [sflag:s30], $0x4000  }
0x64: {  	[sflag:s30] =	ssyncset.done $0x0  }
0x65: {  	[sflag:s30] =	ssyncadd.s32 $0xFFFFC000  }
0x66: {  	[tilespmem:s19], [sflag:$0x5] =	stream.linear.gather [hbm4b:s9+s3], $0x1400, $0x38;
	[tilespmem:$0x1E400] =	vst v63  }
0x67: {  	_ =	swait.ge [sflag:s14], $0x1400  }
0x68: {  	[sflag:s14] =	ssyncset.done $0x0  }
0x69: {  	[sflag:s14] =	ssyncadd.s32 $0xFFFFEC00  }
0x6a: {  	[tilespmem:s20], [sflag:$0x5] =	stream.linear.gather [hbm4b:s10+s3], $0x1400, $0x38;
	[tilespmem:$0x1E400] =	vst v63  }
0x6b: {  	_ =	swait.ge [sflag:s14], $0x1400  }
0x6c: {  	[sflag:s14] =	ssyncset.done $0x0  }
0x6d: {  	[sflag:s14] =	ssyncadd.s32 $0xFFFFEC00  }
0x6e: {  	[tilespmem:s22], [sflag:$0x1] =	stream.indirect.gather [hbm4b:s4+s21], $0x80, s19, s21, $0xb8;
	[tilespmem:$0x1E400] =	vst v63  }
0x6f: {  	_ = 	snop  }
0x70: {  	[tilespmem:s24], [sflag:$0x2] =	stream.indirect.gather [hbm4b:s4+s21], $0x80, s23, s21, $0xb8;
	[tilespmem:$0x1E400] =	vst v63  }
0x71: {  	_ =	swait.ge [sflag:s25], $0x4000  }
0x72: {  	[sflag:s25] =	ssyncset.done $0x0  }
0x73: {  	[sflag:s25] =	ssyncadd.s32 $0xFFFFC000  }
0x74: {  	[spmem:s1] =	stream.indirect.scatter.add.f32 [tilespmem:s22], [sflag:$0x3], $0x80, s20, s21, $0xb8;
	[tilespmem:$0x1E400] =	vst v63  }
0x75: {  	_ =	swait.ge [sflag:s26], $0x4000  }
0x76: {  	[sflag:s26] =	ssyncset.done $0x0  }
0x77: {  	[sflag:s26] =	ssyncadd.s32 $0xFFFFC000  }
0x78: {  	[spmem:s1] =	stream.indirect.scatter.add.f32 [tilespmem:s24], [sflag:$0x4], $0x80, s28, s21, $0xb8;
	[tilespmem:$0x1E400] =	vst v63  }
0x79: {  	_ =	swait.ge [sflag:s29], $0x4000  }
0x7a: {  	[sflag:s29] =	ssyncset.done $0x0  }
0x7b: {  	s0 =	simm.s32 $0x13D00;
	[sflag:s29] =	ssyncadd.s32 $0xFFFFC000  }
0x7c: {  	[tilespmem:s22], [sflag:$0x1] =	stream.indirect.gather [hbm4b:s4+s21], $0x80, s0, s21, $0xb8;
	[tilespmem:$0x1E400] =	vst v63  }
0x7d: {  	_ =	swait.ge [sflag:s30], $0x4000  }
0x7e: {  	[sflag:s30] =	ssyncset.done $0x0  }
0x7f: {  	s2 =	simm.s32 $0x13D80;
	[sflag:s30] =	ssyncadd.s32 $0xFFFFC000  }
0x80: {  	[tilespmem:s24], [sflag:$0x2] =	stream.indirect.gather [hbm4b:s4+s21], $0x80, s2, s21, $0xb8;
	[tilespmem:$0x1E400] =	vst v63  }
0x81: {  	_ =	swait.ge [sflag:s25], $0x4000  }
0x82: {  	[sflag:s25] =	ssyncset.done $0x0  }
0x83: {  	s7 =	simm.s32 $0x15100;
	[sflag:s25] =	ssyncadd.s32 $0xFFFFC000  }
0x84: {  	[spmem:s1] =	stream.indirect.scatter.add.f32 [tilespmem:s22], [sflag:$0x3], $0x80, s7, s21, $0xb8;
	[tilespmem:$0x1E400] =	vst v63  }
0x85: {  	_ =	swait.ge [sflag:s26], $0x4000  }
0x86: {  	[sflag:s26] =	ssyncset.done $0x0  }
0x87: {  	s0 =	simm.s32 $0xFFFFB800;
	s2 =	simm.s32 $0x15180;
	[sflag:s26] =	ssyncadd.s32 $0xFFFFC000  }
.LBB2_4:
0x88: {  	[spmem:s1] =	stream.indirect.scatter.add.f32 [tilespmem:s24], [sflag:$0x4], $0x80, s2, s21, $0xb8;
	[tilespmem:$0x1E400] =	vst v63  }
0x89: {  	s2 =	smov.u32 s0  }
0x8a: {  	p0 =	sne.s32 s0, $0xFFFFFC00;
	s0 =	sadd.s32 $0x400, s0;
	_ =	swait.ge [sflag:s29], $0x4000  }
0x8b: {  	s2 =	sshra.s32 s2, $0x2;
	[sflag:s29] =	ssyncset.done $0x0  }
0x8c: {  	s7 =	sadd.s32 $0x15000, s2;
	[sflag:s29] =	ssyncadd.s32 $0xFFFFC000  }
0x8d: {  	[tilespmem:s22], [sflag:$0x1] =	stream.indirect.gather [hbm4b:s4+s21], $0x80, s7, s21, $0xb8;
	[tilespmem:$0x1E400] =	vst v63  }
0x8e: {  	_ =	swait.ge [sflag:s30], $0x4000  }
0x8f: {  	[sflag:s30] =	ssyncset.done $0x0  }
0x90: {  	s7 =	sadd.s32 $0x15080, s2;
	[sflag:s30] =	ssyncadd.s32 $0xFFFFC000  }
0x91: {  	[tilespmem:s24], [sflag:$0x2] =	stream.indirect.gather [hbm4b:s4+s21], $0x80, s7, s21, $0xb8;
	[tilespmem:$0x1E400] =	vst v63  }
0x92: {  	_ =	swait.ge [sflag:s25], $0x4000  }
0x93: {  	[sflag:s25] =	ssyncset.done $0x0  }
.Ltmp1:
0x94: {  	s7 =	sadd.s32 $0x16400, s2;
	[sflag:s25] =	ssyncadd.s32 $0xFFFFC000;
	(pc) =	sbr.rel @p0 .LBB2_4-.Ltmp1, $4  }
0x95: {  	[spmem:s1] =	stream.indirect.scatter.add.f32 [tilespmem:s22], [sflag:$0x3], $0x80, s7, s21, $0xb8;
	[tilespmem:$0x1E400] =	vst v63  }
0x96: {  	_ =	swait.ge [sflag:s26], $0x4000  }
0x97: {  	[sflag:s26] =	ssyncset.done $0x0  }
0x98: {  	s2 =	sadd.s32 $0x16480, s2;
	[sflag:s26] =	ssyncadd.s32 $0xFFFFC000  }
0x99: {  	[spmem:s1] =	stream.indirect.scatter.add.f32 [tilespmem:s24], [sflag:$0x4], $0x80, s2, s21, $0xb8;
	[tilespmem:$0x1E400] =	vst v63  }
0x9a: {  	_ =	swait.ge [sflag:s29], $0x4000  }
0x9b: {  	[sflag:s29] =	ssyncset.done $0x0  }
0x9c: {  	[sflag:s29] =	ssyncadd.s32 $0xFFFFC000  }
0x9d: {  	_ =	swait.ge [sflag:s30], $0x4000  }
0x9e: {  	s31 =	sadd.s32 $0x1, s31;
	[sflag:s30] =	ssyncset.done $0x0  }
0x9f: {  	p0 =	sne.s32 s31, s12;
	[sflag:s30] =	ssyncadd.s32 $0xFFFFC000  }
.Ltmp2:
0xa0: {  	[bflag:$0x0] =	sbarrier.arrive $0xFFFF;
	(pc) =	sbr.rel @p0 .LBB2_1-.Ltmp2, $4  }
0xa1: {  	[hbm:s11], [sflag:s6] =	dma.local [spmem:s13], $0x2780  }
0xa2: {  	_ =	swait.ge [sflag:s14], $0x2780  }
0xa3: {  	[sflag:s14] =	ssyncset.done $0x0  }
0xa4: {  	[sflag:s14] =	ssyncadd.s32 $0xFFFFD880  }
0xa5: {  	_ =	sfence.sel $0x180000  }
0xa6: {  	[bflag:$0x0] =	sbarrier.arrive $0xFFFF  }
0xa7: {  	_ =	strace $0x9000004A  }
0xa8: {  	s0 =	stileid.u32;
	[bflag:$0x2] =	sbarrier.arrive $0xFFFF  }
0xa9: {  	p0 =	sne.s32 s0, $0x0;
	s0 =	rddreg [dreg:$0x2]  }
0xaa: {  	s0 =	sadd.s32 @!p0 $0x100000, s0  }
0xab: {  	[sflag:s0] =	ssyncadd.tile.s32 @!p0 $0x1;
	_ =	shalt  }
.Lfunc_end2:
_tile_overlayer_lowered:
.L_overlay_start_2:
0xac: {  	(tag) =	ssettag $0x2  }
0xad: {  	s0 =	rddreg [dreg:$0x0];
	s2 =	stileid.u32  }
0xae: {  	s1 =	rddreg [dreg:$0x1];
	p0 =	sne.s32 s2, $0x0  }
0xaf: {  	s3 =	rddreg [dreg:$0x2];
	[bflag:$0x3] =	sbarrier.arrive $0xFFFF;
	s2 =	simm.s32 @!p0 $0x1C05  }
0xb0: {  	[timem:s3], [sflag:s2] =	dma.local @!p0 [hbm:s0], s1  }
0xb1: {  	s0 =	simm.s32 @!p0 $0x5  }
0xb2: {  	_ =	swait.ge @!p0 [sflag:s0], s1  }
0xb3: {  	s1 =	ssub.s32 @!p0 $0x0, s1;
	[sflag:s0] =	ssyncset.done @!p0 $0x0  }
0xb4: {  	[sflag:s0] =	ssyncadd.s32 @!p0 s1  }
0xb5: {  	[bflag:$0x3] =	sbarrier.arrive $0xFFFF  }
0xb6: {  	_ =	shalt  }

</sc_bundles>
